<compile_context>
chip_gen: v7x
topology: tpu7x:2x2x1
jax: 0.10.2.dev20260603
libtpu: 0.0.44.dev20260713+nightly
codegen_flags: <defaults>
</compile_context>

<pallas_src>
import jax
import jax.numpy as jnp
from jax import lax
from jax.experimental import pallas as pl
from jax.experimental.pallas import tpu as pltpu
from jax.experimental.pallas import tpu_sc as plsc

_NC = 2
_NS = 16
_NW = _NC * _NS

_N = 16384
_S = 26
_D = 64
_CPW = _D // _NW


def _bcast_body(emb_hbm, out_hbm, row_v, buf_a, buf_b, sem):
    wid = lax.axis_index("s") * _NC + lax.axis_index("c")
    bufs = (buf_a, buf_b)

    pltpu.sync_copy(emb_hbm.at[pl.ds(0, _D)], row_v.at[pl.ds(0, _D)])

    copies = []
    for t in range(_CPW):
        c = wid * _CPW + t
        bc = jnp.zeros((16,), jnp.float32) + row_v[pl.ds(c, 16)][0]
        buf = bufs[t]

        def fill(i, carry, buf=buf, bc=bc):
            for u in range(4):
                buf[pl.ds(i * 64 + u * 16, 16)] = bc
            return carry

        lax.fori_loop(0, _N // 64, fill, 0)
        for j in range(_S):
            copies.append(
                pltpu.async_copy(bufs[t], out_hbm.at[j, c], sem)
            )
    for cp in copies:
        cp.wait()


def kernel(x, emb):
    mesh = plsc.VectorSubcoreMesh(
        core_axis_name="c", subcore_axis_name="s",
        num_cores=_NC, num_subcores=_NS,
    )
    run = pl.kernel(
        _bcast_body,
        out_type=jax.ShapeDtypeStruct((_S, _D, _N), jnp.float32),
        mesh=mesh,
        scratch_types=[
            pltpu.VMEM((_D + 16,), jnp.float32),
            pltpu.VMEM((_N,), jnp.float32),
            pltpu.VMEM((_N,), jnp.float32),
            pltpu.SemaphoreType.DMA,
        ],
    )
    out = run(emb.reshape(-1))
    return out.transpose(2, 0, 1)

# --- scband reference (transcript-rebuilt; emitter-appended) ---
"""Pipeline reference for scband-my-model-11879879543846 (READ-ONLY COPY).

The authoritative reference and input builder live on the scoring server;
editing this copy changes nothing except your own understanding.
"""

import jax, jax.numpy as jnp
import numpy as np


def setup_inputs(seed: int = 0) -> dict:
    key = jax.random.key(seed)
    k1, k2 = jax.random.split(key)
    x = jax.random.randint(k1, (16384, 26), 0, 50)
    emb = jax.random.normal(k2, (50, 64), dtype=jnp.float32)
    return {"x": x, "emb": emb}


def reference(x, emb):
    # forward: zeros_like(x) as indices, then embedding lookup
    inp = jnp.zeros_like(x)
    return jnp.take(emb, inp, axis=0)

if __name__ == "__main__":
    import jax
    _d = setup_inputs()
    print(jax.jit(kernel)(*tuple(_d.values())))

</pallas_src>

<mosaic_0001>
#map = affine_map<(d0, d1) -> (0)>
#map1 = affine_map<(d0, d1) -> (0, 0, 0)>
module attributes {stable_mosaic.version = 14 : i64} {
  func.func @_bcast_body(%arg0: i32, %arg1: i32, %arg2: memref<3200xf32, #tpu.memory_space<hbm>>, %arg3: memref<26x64x16384xf32, #tpu.memory_space<hbm>>, %arg4: memref<80xf32, #tpu.memory_space<vmem>>, %arg5: memref<16384xf32, #tpu.memory_space<vmem>>, %arg6: memref<16384xf32, #tpu.memory_space<vmem>>, %arg7: memref<!tpu.dma_semaphore, #tpu.memory_space<semaphore_mem>>) attributes {dimension_semantics = [#tpu.dimension_semantics<core_parallel>, #tpu.dimension_semantics<subcore_parallel>], iteration_bounds = array<i64: 2, 16>, scalar_prefetch = 0 : i64, scratch_operands = 4 : i64, tpu.core_type = #tpu.core_type<sc_vector_subcore>, window_params = [{transform_indices = #map}, {transform_indices = #map1}]} {
    %mul3A = arith.constant 2 : i32
    %mul3A_0 = arith.muli %arg1, %mul3A : i32
    %add3A = arith.addi %mul3A_0, %arg0 : i32
    "tpu.region"() ({
      %run_scoped3A = tpu.sem_alloc : memref<!tpu.dma_semaphore, #tpu.memory_space<semaphore_mem>>
      %dma_start3A_760 = arith.constant 0 : i32
      %dma_start3A_761 = tpu.memref_slice %arg4[%dma_start3A_760] : memref<80xf32, #tpu.memory_space<vmem>> -> memref<64xf32, #tpu.memory_space<vmem>>
      %dma_start3A_762 = arith.constant 0 : i32
      %dma_start3A_763 = tpu.memref_slice %arg2[%dma_start3A_762] : memref<3200xf32, #tpu.memory_space<hbm>> -> memref<64xf32, #tpu.memory_space<hbm>>
      %dma_start3A_764 = arith.constant 0 : i32
      %dma_start3A_765 = tpu.memref_slice %arg4[%dma_start3A_764] : memref<80xf32, #tpu.memory_space<vmem>> -> memref<64xf32, #tpu.memory_space<vmem>>
      %dma_start3A_766 = arith.constant 0 : i32
      %dma_start3A_767 = tpu.memref_slice %arg2[%dma_start3A_766] : memref<3200xf32, #tpu.memory_space<hbm>> -> memref<64xf32, #tpu.memory_space<hbm>>
      tpu.enqueue_dma source(%dma_start3A_767 : memref<64xf32, #tpu.memory_space<hbm>>) target(%dma_start3A_765 : memref<64xf32, #tpu.memory_space<vmem>>) target_semaphore(%run_scoped3A : memref<!tpu.dma_semaphore, #tpu.memory_space<semaphore_mem>>)
      %dma_wait3A_768 = arith.constant 0 : i32
      %dma_wait3A_769 = tpu.memref_slice %arg4[%dma_wait3A_768] : memref<80xf32, #tpu.memory_space<vmem>> -> memref<64xf32, #tpu.memory_space<vmem>>
      %dma_wait3A_770 = arith.constant 0 : i32
      %dma_wait3A_771 = tpu.memref_slice %arg2[%dma_wait3A_770] : memref<3200xf32, #tpu.memory_space<hbm>> -> memref<64xf32, #tpu.memory_space<hbm>>
      %dma_wait3A_772 = arith.constant 0 : i32
      %dma_wait3A_773 = tpu.memref_slice %arg4[%dma_wait3A_772] : memref<80xf32, #tpu.memory_space<vmem>> -> memref<64xf32, #tpu.memory_space<vmem>>
      %dma_wait3A_774 = arith.constant 0 : i32
      %dma_wait3A_775 = tpu.memref_slice %arg2[%dma_wait3A_774] : memref<3200xf32, #tpu.memory_space<hbm>> -> memref<64xf32, #tpu.memory_space<hbm>>
      tpu.wait_dma2 semaphore(%run_scoped3A : memref<!tpu.dma_semaphore, #tpu.memory_space<semaphore_mem>>) src(%dma_wait3A_775 : memref<64xf32, #tpu.memory_space<hbm>>) dst(%dma_wait3A_773 : memref<64xf32, #tpu.memory_space<vmem>>)
      tpu.yield
    }) : () -> ()
    %mul3A_1 = arith.constant 2 : i32
    %mul3A_2 = arith.muli %add3A, %mul3A_1 : i32
    %add3A_3 = arith.constant 0 : i32
    %add3A_4 = arith.addi %mul3A_2, %add3A_3 : i32
    %broadcast_in_dim3A = arith.constant 0.000000e+00 : f32
    %broadcast_in_dim3A_5 = vector.broadcast %broadcast_in_dim3A : f32 to vector<16xf32>
    %get3A = arith.index_cast %add3A_4 : i32 to index
    %get3A_6 = tpu.vector_load %arg4[%get3A] {strides = array<i32>} : memref<80xf32, #tpu.memory_space<vmem>>, vector<16xf32>,
    %get3A_7 = vector.shape_cast %get3A_6 : vector<16xf32> to vector<16xf32>
    %slice3A = vector.extract_strided_slice %get3A_7 {offsets = [0], sizes = [1], strides = [1]} : vector<16xf32> to vector<1xf32>
    %squeeze3A = vector.extract %slice3A[0] : f32 from vector<1xf32>
    %add3A_8 = vector.broadcast %squeeze3A : f32 to vector<16xf32>
    %add3A_9 = arith.addf %broadcast_in_dim3A_5, %add3A_8 : vector<16xf32>
    %scan3A = arith.constant 0 : i32
    %scan3A_10 = arith.constant 0 : i32
    %scan3A_11 = arith.constant 256 : i32
    %scan3A_12 = arith.addi %scan3A_10, %scan3A_11 : i32
    %scan3A_13 = arith.constant 1 : i32
    scf.for %scan3A_760 = %scan3A_10 to %scan3A_12 step %scan3A_13  : i32 {
      %mul3A_761 = arith.constant 64 : i32
      %mul3A_762 = arith.muli %scan3A_760, %mul3A_761 : i32
      %add3A_763 = arith.constant 0 : i32
      %add3A_764 = arith.addi %mul3A_762, %add3A_763 : i32
      %swap3A = arith.index_cast %add3A_764 : i32 to index
      %swap3A_765 = tpu.vector_load %arg5[%swap3A] {strides = array<i32>} : memref<16384xf32, #tpu.memory_space<vmem>>, vector<16xf32>,
      %swap3A_766 = vector.shape_cast %swap3A_765 : vector<16xf32> to vector<16xf32>
      %swap3A_767 = vector.shape_cast %add3A_9 : vector<16xf32> to vector<16xf32>
      tpu.vector_store %arg5[%swap3A], %swap3A_767 {strides = array<i32>} : memref<16384xf32, #tpu.memory_space<vmem>>, vector<16xf32>,
      %mul3A_768 = arith.constant 64 : i32
      %mul3A_769 = arith.muli %scan3A_760, %mul3A_768 : i32
      %add3A_770 = arith.constant 16 : i32
      %add3A_771 = arith.addi %mul3A_769, %add3A_770 : i32
      %swap3A_772 = arith.index_cast %add3A_771 : i32 to index
      %swap3A_773 = tpu.vector_load %arg5[%swap3A_772] {strides = array<i32>} : memref<16384xf32, #tpu.memory_space<vmem>>, vector<16xf32>,
      %swap3A_774 = vector.shape_cast %swap3A_773 : vector<16xf32> to vector<16xf32>
      %swap3A_775 = vector.shape_cast %add3A_9 : vector<16xf32> to vector<16xf32>
      tpu.vector_store %arg5[%swap3A_772], %swap3A_775 {strides = array<i32>} : memref<16384xf32, #tpu.memory_space<vmem>>, vector<16xf32>,
      %mul3A_776 = arith.constant 64 : i32
      %mul3A_777 = arith.muli %scan3A_760, %mul3A_776 : i32
      %add3A_778 = arith.constant 32 : i32
      %add3A_779 = arith.addi %mul3A_777, %add3A_778 : i32
      %swap3A_780 = arith.index_cast %add3A_779 : i32 to index
      %swap3A_781 = tpu.vector_load %arg5[%swap3A_780] {strides = array<i32>} : memref<16384xf32, #tpu.memory_space<vmem>>, vector<16xf32>,
      %swap3A_782 = vector.shape_cast %swap3A_781 : vector<16xf32> to vector<16xf32>
      %swap3A_783 = vector.shape_cast %add3A_9 : vector<16xf32> to vector<16xf32>
      tpu.vector_store %arg5[%swap3A_780], %swap3A_783 {strides = array<i32>} : memref<16384xf32, #tpu.memory_space<vmem>>, vector<16xf32>,
      %mul3A_784 = arith.constant 64 : i32
      %mul3A_785 = arith.muli %scan3A_760, %mul3A_784 : i32
      %add3A_786 = arith.constant 48 : i32
      %add3A_787 = arith.addi %mul3A_785, %add3A_786 : i32
      %swap3A_788 = arith.index_cast %add3A_787 : i32 to index
      %swap3A_789 = tpu.vector_load %arg5[%swap3A_788] {strides = array<i32>} : memref<16384xf32, #tpu.memory_space<vmem>>, vector<16xf32>,
      %swap3A_790 = vector.shape_cast %swap3A_789 : vector<16xf32> to vector<16xf32>
      %swap3A_791 = vector.shape_cast %add3A_9 : vector<16xf32> to vector<16xf32>
      tpu.vector_store %arg5[%swap3A_788], %swap3A_791 {strides = array<i32>} : memref<16384xf32, #tpu.memory_space<vmem>>, vector<16xf32>,
    }
    %scan3A_14 = arith.constant 256 : i32
    %dma_start3A = arith.constant 0 : i32
    %dma_start3A_15 = arith.constant 0 : i32
    %dma_start3A_16 = tpu.memref_slice %arg3[%dma_start3A, %add3A_4, %dma_start3A_15] : memref<26x64x16384xf32, #tpu.memory_space<hbm>> -> memref<1x1x16384xf32, #tpu.memory_space<hbm>>
    %dma_start3A_17 = tpu.memref_squeeze %dma_start3A_16 : memref<1x1x16384xf32, #tpu.memory_space<hbm>> -> memref<16384xf32, #tpu.memory_space<hbm>>
    %dma_start3A_18 = arith.constant 0 : i32
    %dma_start3A_19 = tpu.memref_slice %arg3[%dma_start3A, %add3A_4, %dma_start3A_18] : memref<26x64x16384xf32, #tpu.memory_space<hbm>> -> memref<1x1x16384xf32, #tpu.memory_space<hbm>>
    %dma_start3A_20 = tpu.memref_squeeze %dma_start3A_19 : memref<1x1x16384xf32, #tpu.memory_space<hbm>> -> memref<16384xf32, #tpu.memory_space<hbm>>
    tpu.enqueue_dma source(%arg5 : memref<16384xf32, #tpu.memory_space<vmem>>) target(%dma_start3A_20 : memref<16384xf32, #tpu.memory_space<hbm>>) target_semaphore(%arg7 : memref<!tpu.dma_semaphore, #tpu.memory_space<semaphore_mem>>)
    %dma_start3A_21 = arith.constant 1 : i32
    %dma_start3A_22 = arith.constant 0 : i32
    %dma_start3A_23 = tpu.memref_slice %arg3[%dma_start3A_21, %add3A_4, %dma_start3A_22] : memref<26x64x16384xf32, #tpu.memory_space<hbm>> -> memref<1x1x16384xf32, #tpu.memory_space<hbm>>
    %dma_start3A_24 = tpu.memref_squeeze %dma_start3A_23 : memref<1x1x16384xf32, #tpu.memory_space<hbm>> -> memref<16384xf32, #tpu.memory_space<hbm>>
    %dma_start3A_25 = arith.constant 0 : i32
    %dma_start3A_26 = tpu.memref_slice %arg3[%dma_start3A_21, %add3A_4, %dma_start3A_25] : memref<26x64x16384xf32, #tpu.memory_space<hbm>> -> memref<1x1x16384xf32, #tpu.memory_space<hbm>>
    %dma_start3A_27 = tpu.memref_squeeze %dma_start3A_26 : memref<1x1x16384xf32, #tpu.memory_space<hbm>> -> memref<16384xf32, #tpu.memory_space<hbm>>
    tpu.enqueue_dma source(%arg5 : memref<16384xf32, #tpu.memory_space<vmem>>) target(%dma_start3A_27 : memref<16384xf32, #tpu.memory_space<hbm>>) target_semaphore(%arg7 : memref<!tpu.dma_semaphore, #tpu.memory_space<semaphore_mem>>)
    %dma_start3A_28 = arith.constant 2 : i32
    %dma_start3A_29 = arith.constant 0 : i32
    %dma_start3A_30 = tpu.memref_slice %arg3[%dma_start3A_28, %add3A_4, %dma_start3A_29] : memref<26x64x16384xf32, #tpu.memory_space<hbm>> -> memref<1x1x16384xf32, #tpu.memory_space<hbm>>
    %dma_start3A_31 = tpu.memref_squeeze %dma_start3A_30 : memref<1x1x16384xf32, #tpu.memory_space<hbm>> -> memref<16384xf32, #tpu.memory_space<hbm>>
    %dma_start3A_32 = arith.constant 0 : i32
    %dma_start3A_33 = tpu.memref_slice %arg3[%dma_start3A_28, %add3A_4, %dma_start3A_32] : memref<26x64x16384xf32, #tpu.memory_space<hbm>> -> memref<1x1x16384xf32, #tpu.memory_space<hbm>>
    %dma_start3A_34 = tpu.memref_squeeze %dma_start3A_33 : memref<1x1x16384xf32, #tpu.memory_space<hbm>> -> memref<16384xf32, #tpu.memory_space<hbm>>
    tpu.enqueue_dma source(%arg5 : memref<16384xf32, #tpu.memory_space<vmem>>) target(%dma_start3A_34 : memref<16384xf32, #tpu.memory_space<hbm>>) target_semaphore(%arg7 : memref<!tpu.dma_semaphore, #tpu.memory_space<semaphore_mem>>)
    %dma_start3A_35 = arith.constant 3 : i32
    %dma_start3A_36 = arith.constant 0 : i32
    %dma_start3A_37 = tpu.memref_slice %arg3[%dma_start3A_35, %add3A_4, %dma_start3A_36] : memref<26x64x16384xf32, #tpu.memory_space<hbm>> -> memref<1x1x16384xf32, #tpu.memory_space<hbm>>
    %dma_start3A_38 = tpu.memref_squeeze %dma_start3A_37 : memref<1x1x16384xf32, #tpu.memory_space<hbm>> -> memref<16384xf32, #tpu.memory_space<hbm>>
    %dma_start3A_39 = arith.constant 0 : i32
    %dma_start3A_40 = tpu.memref_slice %arg3[%dma_start3A_35, %add3A_4, %dma_start3A_39] : memref<26x64x16384xf32, #tpu.memory_space<hbm>> -> memref<1x1x16384xf32, #tpu.memory_space<hbm>>
    %dma_start3A_41 = tpu.memref_squeeze %dma_start3A_40 : memref<1x1x16384xf32, #tpu.memory_space<hbm>> -> memref<16384xf32, #tpu.memory_space<hbm>>
    tpu.enqueue_dma source(%arg5 : memref<16384xf32, #tpu.memory_space<vmem>>) target(%dma_start3A_41 : memref<16384xf32, #tpu.memory_space<hbm>>) target_semaphore(%arg7 : memref<!tpu.dma_semaphore, #tpu.memory_space<semaphore_mem>>)
    %dma_start3A_42 = arith.constant 4 : i32
    %dma_start3A_43 = arith.constant 0 : i32
    %dma_start3A_44 = tpu.memref_slice %arg3[%dma_start3A_42, %add3A_4, %dma_start3A_43] : memref<26x64x16384xf32, #tpu.memory_space<hbm>> -> memref<1x1x16384xf32, #tpu.memory_space<hbm>>
    %dma_start3A_45 = tpu.memref_squeeze %dma_start3A_44 : memref<1x1x16384xf32, #tpu.memory_space<hbm>> -> memref<16384xf32, #tpu.memory_space<hbm>>
    %dma_start3A_46 = arith.constant 0 : i32
    %dma_start3A_47 = tpu.memref_slice %arg3[%dma_start3A_42, %add3A_4, %dma_start3A_46] : memref<26x64x16384xf32, #tpu.memory_space<hbm>> -> memref<1x1x16384xf32, #tpu.memory_space<hbm>>
    %dma_start3A_48 = tpu.memref_squeeze %dma_start3A_47 : memref<1x1x16384xf32, #tpu.memory_space<hbm>> -> memref<16384xf32, #tpu.memory_space<hbm>>
    tpu.enqueue_dma source(%arg5 : memref<16384xf32, #tpu.memory_space<vmem>>) target(%dma_start3A_48 : memref<16384xf32, #tpu.memory_space<hbm>>) target_semaphore(%arg7 : memref<!tpu.dma_semaphore, #tpu.memory_space<semaphore_mem>>)
    %dma_start3A_49 = arith.constant 5 : i32
    %dma_start3A_50 = arith.constant 0 : i32
    %dma_start3A_51 = tpu.memref_slice %arg3[%dma_start3A_49, %add3A_4, %dma_start3A_50] : memref<26x64x16384xf32, #tpu.memory_space<hbm>> -> memref<1x1x16384xf32, #tpu.memory_space<hbm>>
    %dma_start3A_52 = tpu.memref_squeeze %dma_start3A_51 : memref<1x1x16384xf32, #tpu.memory_space<hbm>> -> memref<16384xf32, #tpu.memory_space<hbm>>
    %dma_start3A_53 = arith.constant 0 : i32
    %dma_start3A_54 = tpu.memref_slice %arg3[%dma_start3A_49, %add3A_4, %dma_start3A_53] : memref<26x64x16384xf32, #tpu.memory_space<hbm>> -> memref<1x1x16384xf32, #tpu.memory_space<hbm>>
    %dma_start3A_55 = tpu.memref_squeeze %dma_start3A_54 : memref<1x1x16384xf32, #tpu.memory_space<hbm>> -> memref<16384xf32, #tpu.memory_space<hbm>>
    tpu.enqueue_dma source(%arg5 : memref<16384xf32, #tpu.memory_space<vmem>>) target(%dma_start3A_55 : memref<16384xf32, #tpu.memory_space<hbm>>) target_semaphore(%arg7 : memref<!tpu.dma_semaphore, #tpu.memory_space<semaphore_mem>>)
    %dma_start3A_56 = arith.constant 6 : i32
    %dma_start3A_57 = arith.constant 0 : i32
    %dma_start3A_58 = tpu.memref_slice %arg3[%dma_start3A_56, %add3A_4, %dma_start3A_57] : memref<26x64x16384xf32, #tpu.memory_space<hbm>> -> memref<1x1x16384xf32, #tpu.memory_space<hbm>>
    %dma_start3A_59 = tpu.memref_squeeze %dma_start3A_58 : memref<1x1x16384xf32, #tpu.memory_space<hbm>> -> memref<16384xf32, #tpu.memory_space<hbm>>
    %dma_start3A_60 = arith.constant 0 : i32
    %dma_start3A_61 = tpu.memref_slice %arg3[%dma_start3A_56, %add3A_4, %dma_start3A_60] : memref<26x64x16384xf32, #tpu.memory_space<hbm>> -> memref<1x1x16384xf32, #tpu.memory_space<hbm>>
    %dma_start3A_62 = tpu.memref_squeeze %dma_start3A_61 : memref<1x1x16384xf32, #tpu.memory_space<hbm>> -> memref<16384xf32, #tpu.memory_space<hbm>>
    tpu.enqueue_dma source(%arg5 : memref<16384xf32, #tpu.memory_space<vmem>>) target(%dma_start3A_62 : memref<16384xf32, #tpu.memory_space<hbm>>) target_semaphore(%arg7 : memref<!tpu.dma_semaphore, #tpu.memory_space<semaphore_mem>>)
    %dma_start3A_63 = arith.constant 7 : i32
    %dma_start3A_64 = arith.constant 0 : i32
    %dma_start3A_65 = tpu.memref_slice %arg3[%dma_start3A_63, %add3A_4, %dma_start3A_64] : memref<26x64x16384xf32, #tpu.memory_space<hbm>> -> memref<1x1x16384xf32, #tpu.memory_space<hbm>>
    %dma_start3A_66 = tpu.memref_squeeze %dma_start3A_65 : memref<1x1x16384xf32, #tpu.memory_space<hbm>> -> memref<16384xf32, #tpu.memory_space<hbm>>
    %dma_start3A_67 = arith.constant 0 : i32
    %dma_start3A_68 = tpu.memref_slice %arg3[%dma_start3A_63, %add3A_4, %dma_start3A_67] : memref<26x64x16384xf32, #tpu.memory_space<hbm>> -> memref<1x1x16384xf32, #tpu.memory_space<hbm>>
    %dma_start3A_69 = tpu.memref_squeeze %dma_start3A_68 : memref<1x1x16384xf32, #tpu.memory_space<hbm>> -> memref<16384xf32, #tpu.memory_space<hbm>>
    tpu.enqueue_dma source(%arg5 : memref<16384xf32, #tpu.memory_space<vmem>>) target(%dma_start3A_69 : memref<16384xf32, #tpu.memory_space<hbm>>) target_semaphore(%arg7 : memref<!tpu.dma_semaphore, #tpu.memory_space<semaphore_mem>>)
    %dma_start3A_70 = arith.constant 8 : i32
    %dma_start3A_71 = arith.constant 0 : i32
    %dma_start3A_72 = tpu.memref_slice %arg3[%dma_start3A_70, %add3A_4, %dma_start3A_71] : memref<26x64x16384xf32, #tpu.memory_space<hbm>> -> memref<1x1x16384xf32, #tpu.memory_space<hbm>>
    %dma_start3A_73 = tpu.memref_squeeze %dma_start3A_72 : memref<1x1x16384xf32, #tpu.memory_space<hbm>> -> memref<16384xf32, #tpu.memory_space<hbm>>
    %dma_start3A_74 = arith.constant 0 : i32
    %dma_start3A_75 = tpu.memref_slice %arg3[%dma_start3A_70, %add3A_4, %dma_start3A_74] : memref<26x64x16384xf32, #tpu.memory_space<hbm>> -> memref<1x1x16384xf32, #tpu.memory_space<hbm>>
    %dma_start3A_76 = tpu.memref_squeeze %dma_start3A_75 : memref<1x1x16384xf32, #tpu.memory_space<hbm>> -> memref<16384xf32, #tpu.memory_space<hbm>>
    tpu.enqueue_dma source(%arg5 : memref<16384xf32, #tpu.memory_space<vmem>>) target(%dma_start3A_76 : memref<16384xf32, #tpu.memory_space<hbm>>) target_semaphore(%arg7 : memref<!tpu.dma_semaphore, #tpu.memory_space<semaphore_mem>>)
    %dma_start3A_77 = arith.constant 9 : i32
    %dma_start3A_78 = arith.constant 0 : i32
    %dma_start3A_79 = tpu.memref_slice %arg3[%dma_start3A_77, %add3A_4, %dma_start3A_78] : memref<26x64x16384xf32, #tpu.memory_space<hbm>> -> memref<1x1x16384xf32, #tpu.memory_space<hbm>>
    %dma_start3A_80 = tpu.memref_squeeze %dma_start3A_79 : memref<1x1x16384xf32, #tpu.memory_space<hbm>> -> memref<16384xf32, #tpu.memory_space<hbm>>
    %dma_start3A_81 = arith.constant 0 : i32
    %dma_start3A_82 = tpu.memref_slice %arg3[%dma_start3A_77, %add3A_4, %dma_start3A_81] : memref<26x64x16384xf32, #tpu.memory_space<hbm>> -> memref<1x1x16384xf32, #tpu.memory_space<hbm>>
    %dma_start3A_83 = tpu.memref_squeeze %dma_start3A_82 : memref<1x1x16384xf32, #tpu.memory_space<hbm>> -> memref<16384xf32, #tpu.memory_space<hbm>>
    tpu.enqueue_dma source(%arg5 : memref<16384xf32, #tpu.memory_space<vmem>>) target(%dma_start3A_83 : memref<16384xf32, #tpu.memory_space<hbm>>) target_semaphore(%arg7 : memref<!tpu.dma_semaphore, #tpu.memory_space<semaphore_mem>>)
    %dma_start3A_84 = arith.constant 10 : i32
    %dma_start3A_85 = arith.constant 0 : i32
    %dma_start3A_86 = tpu.memref_slice %arg3[%dma_start3A_84, %add3A_4, %dma_start3A_85] : memref<26x64x16384xf32, #tpu.memory_space<hbm>> -> memref<1x1x16384xf32, #tpu.memory_space<hbm>>
    %dma_start3A_87 = tpu.memref_squeeze %dma_start3A_86 : memref<1x1x16384xf32, #tpu.memory_space<hbm>> -> memref<16384xf32, #tpu.memory_space<hbm>>
    %dma_start3A_88 = arith.constant 0 : i32
    %dma_start3A_89 = tpu.memref_slice %arg3[%dma_start3A_84, %add3A_4, %dma_start3A_88] : memref<26x64x16384xf32, #tpu.memory_space<hbm>> -> memref<1x1x16384xf32, #tpu.memory_space<hbm>>
    %dma_start3A_90 = tpu.memref_squeeze %dma_start3A_89 : memref<1x1x16384xf32, #tpu.memory_space<hbm>> -> memref<16384xf32, #tpu.memory_space<hbm>>
    tpu.enqueue_dma source(%arg5 : memref<16384xf32, #tpu.memory_space<vmem>>) target(%dma_start3A_90 : memref<16384xf32, #tpu.memory_space<hbm>>) target_semaphore(%arg7 : memref<!tpu.dma_semaphore, #tpu.memory_space<semaphore_mem>>)
    %dma_start3A_91 = arith.constant 11 : i32
    %dma_start3A_92 = arith.constant 0 : i32
    %dma_start3A_93 = tpu.memref_slice %arg3[%dma_start3A_91, %add3A_4, %dma_start3A_92] : memref<26x64x16384xf32, #tpu.memory_space<hbm>> -> memref<1x1x16384xf32, #tpu.memory_space<hbm>>
    %dma_start3A_94 = tpu.memref_squeeze %dma_start3A_93 : memref<1x1x16384xf32, #tpu.memory_space<hbm>> -> memref<16384xf32, #tpu.memory_space<hbm>>
    %dma_start3A_95 = arith.constant 0 : i32
    %dma_start3A_96 = tpu.memref_slice %arg3[%dma_start3A_91, %add3A_4, %dma_start3A_95] : memref<26x64x16384xf32, #tpu.memory_space<hbm>> -> memref<1x1x16384xf32, #tpu.memory_space<hbm>>
    %dma_start3A_97 = tpu.memref_squeeze %dma_start3A_96 : memref<1x1x16384xf32, #tpu.memory_space<hbm>> -> memref<16384xf32, #tpu.memory_space<hbm>>
    tpu.enqueue_dma source(%arg5 : memref<16384xf32, #tpu.memory_space<vmem>>) target(%dma_start3A_97 : memref<16384xf32, #tpu.memory_space<hbm>>) target_semaphore(%arg7 : memref<!tpu.dma_semaphore, #tpu.memory_space<semaphore_mem>>)
    %dma_start3A_98 = arith.constant 12 : i32
    %dma_start3A_99 = arith.constant 0 : i32
    %dma_start3A_100 = tpu.memref_slice %arg3[%dma_start3A_98, %add3A_4, %dma_start3A_99] : memref<26x64x16384xf32, #tpu.memory_space<hbm>> -> memref<1x1x16384xf32, #tpu.memory_space<hbm>>
    %dma_start3A_101 = tpu.memref_squeeze %dma_start3A_100 : memref<1x1x16384xf32, #tpu.memory_space<hbm>> -> memref<16384xf32, #tpu.memory_space<hbm>>
    %dma_start3A_102 = arith.constant 0 : i32
    %dma_start3A_103 = tpu.memref_slice %arg3[%dma_start3A_98, %add3A_4, %dma_start3A_102] : memref<26x64x16384xf32, #tpu.memory_space<hbm>> -> memref<1x1x16384xf32, #tpu.memory_space<hbm>>
    %dma_start3A_104 = tpu.memref_squeeze %dma_start3A_103 : memref<1x1x16384xf32, #tpu.memory_space<hbm>> -> memref<16384xf32, #tpu.memory_space<hbm>>
    tpu.enqueue_dma source(%arg5 : memref<16384xf32, #tpu.memory_space<vmem>>) target(%dma_start3A_104 : memref<16384xf32, #tpu.memory_space<hbm>>) target_semaphore(%arg7 : memref<!tpu.dma_semaphore, #tpu.memory_space<semaphore_mem>>)
    %dma_start3A_105 = arith.constant 13 : i32
    %dma_start3A_106 = arith.constant 0 : i32
    %dma_start3A_107 = tpu.memref_slice %arg3[%dma_start3A_105, %add3A_4, %dma_start3A_106] : memref<26x64x16384xf32, #tpu.memory_space<hbm>> -> memref<1x1x16384xf32, #tpu.memory_space<hbm>>
    %dma_start3A_108 = tpu.memref_squeeze %dma_start3A_107 : memref<1x1x16384xf32, #tpu.memory_space<hbm>> -> memref<16384xf32, #tpu.memory_space<hbm>>
    %dma_start3A_109 = arith.constant 0 : i32
    %dma_start3A_110 = tpu.memref_slice %arg3[%dma_start3A_105, %add3A_4, %dma_start3A_109] : memref<26x64x16384xf32, #tpu.memory_space<hbm>> -> memref<1x1x16384xf32, #tpu.memory_space<hbm>>
    %dma_start3A_111 = tpu.memref_squeeze %dma_start3A_110 : memref<1x1x16384xf32, #tpu.memory_space<hbm>> -> memref<16384xf32, #tpu.memory_space<hbm>>
    tpu.enqueue_dma source(%arg5 : memref<16384xf32, #tpu.memory_space<vmem>>) target(%dma_start3A_111 : memref<16384xf32, #tpu.memory_space<hbm>>) target_semaphore(%arg7 : memref<!tpu.dma_semaphore, #tpu.memory_space<semaphore_mem>>)
    %dma_start3A_112 = arith.constant 14 : i32
    %dma_start3A_113 = arith.constant 0 : i32
    %dma_start3A_114 = tpu.memref_slice %arg3[%dma_start3A_112, %add3A_4, %dma_start3A_113] : memref<26x64x16384xf32, #tpu.memory_space<hbm>> -> memref<1x1x16384xf32, #tpu.memory_space<hbm>>
    %dma_start3A_115 = tpu.memref_squeeze %dma_start3A_114 : memref<1x1x16384xf32, #tpu.memory_space<hbm>> -> memref<16384xf32, #tpu.memory_space<hbm>>
    %dma_start3A_116 = arith.constant 0 : i32
    %dma_start3A_117 = tpu.memref_slice %arg3[%dma_start3A_112, %add3A_4, %dma_start3A_116] : memref<26x64x16384xf32, #tpu.memory_space<hbm>> -> memref<1x1x16384xf32, #tpu.memory_space<hbm>>
    %dma_start3A_118 = tpu.memref_squeeze %dma_start3A_117 : memref<1x1x16384xf32, #tpu.memory_space<hbm>> -> memref<16384xf32, #tpu.memory_space<hbm>>
    tpu.enqueue_dma source(%arg5 : memref<16384xf32, #tpu.memory_space<vmem>>) target(%dma_start3A_118 : memref<16384xf32, #tpu.memory_space<hbm>>) target_semaphore(%arg7 : memref<!tpu.dma_semaphore, #tpu.memory_space<semaphore_mem>>)
    %dma_start3A_119 = arith.constant 15 : i32
    %dma_start3A_120 = arith.constant 0 : i32
    %dma_start3A_121 = tpu.memref_slice %arg3[%dma_start3A_119, %add3A_4, %dma_start3A_120] : memref<26x64x16384xf32, #tpu.memory_space<hbm>> -> memref<1x1x16384xf32, #tpu.memory_space<hbm>>
    %dma_start3A_122 = tpu.memref_squeeze %dma_start3A_121 : memref<1x1x16384xf32, #tpu.memory_space<hbm>> -> memref<16384xf32, #tpu.memory_space<hbm>>
    %dma_start3A_123 = arith.constant 0 : i32
    %dma_start3A_124 = tpu.memref_slice %arg3[%dma_start3A_119, %add3A_4, %dma_start3A_123] : memref<26x64x16384xf32, #tpu.memory_space<hbm>> -> memref<1x1x16384xf32, #tpu.memory_space<hbm>>
    %dma_start3A_125 = tpu.memref_squeeze %dma_start3A_124 : memref<1x1x16384xf32, #tpu.memory_space<hbm>> -> memref<16384xf32, #tpu.memory_space<hbm>>
    tpu.enqueue_dma source(%arg5 : memref<16384xf32, #tpu.memory_space<vmem>>) target(%dma_start3A_125 : memref<16384xf32, #tpu.memory_space<hbm>>) target_semaphore(%arg7 : memref<!tpu.dma_semaphore, #tpu.memory_space<semaphore_mem>>)
    %dma_start3A_126 = arith.constant 16 : i32
    %dma_start3A_127 = arith.constant 0 : i32
    %dma_start3A_128 = tpu.memref_slice %arg3[%dma_start3A_126, %add3A_4, %dma_start3A_127] : memref<26x64x16384xf32, #tpu.memory_space<hbm>> -> memref<1x1x16384xf32, #tpu.memory_space<hbm>>
    %dma_start3A_129 = tpu.memref_squeeze %dma_start3A_128 : memref<1x1x16384xf32, #tpu.memory_space<hbm>> -> memref<16384xf32, #tpu.memory_space<hbm>>
    %dma_start3A_130 = arith.constant 0 : i32
    %dma_start3A_131 = tpu.memref_slice %arg3[%dma_start3A_126, %add3A_4, %dma_start3A_130] : memref<26x64x16384xf32, #tpu.memory_space<hbm>> -> memref<1x1x16384xf32, #tpu.memory_space<hbm>>
    %dma_start3A_132 = tpu.memref_squeeze %dma_start3A_131 : memref<1x1x16384xf32, #tpu.memory_space<hbm>> -> memref<16384xf32, #tpu.memory_space<hbm>>
    tpu.enqueue_dma source(%arg5 : memref<16384xf32, #tpu.memory_space<vmem>>) target(%dma_start3A_132 : memref<16384xf32, #tpu.memory_space<hbm>>) target_semaphore(%arg7 : memref<!tpu.dma_semaphore, #tpu.memory_space<semaphore_mem>>)
    %dma_start3A_133 = arith.constant 17 : i32
    %dma_start3A_134 = arith.constant 0 : i32
    %dma_start3A_135 = tpu.memref_slice %arg3[%dma_start3A_133, %add3A_4, %dma_start3A_134] : memref<26x64x16384xf32, #tpu.memory_space<hbm>> -> memref<1x1x16384xf32, #tpu.memory_space<hbm>>
    %dma_start3A_136 = tpu.memref_squeeze %dma_start3A_135 : memref<1x1x16384xf32, #tpu.memory_space<hbm>> -> memref<16384xf32, #tpu.memory_space<hbm>>
    %dma_start3A_137 = arith.constant 0 : i32
    %dma_start3A_138 = tpu.memref_slice %arg3[%dma_start3A_133, %add3A_4, %dma_start3A_137] : memref<26x64x16384xf32, #tpu.memory_space<hbm>> -> memref<1x1x16384xf32, #tpu.memory_space<hbm>>
    %dma_start3A_139 = tpu.memref_squeeze %dma_start3A_138 : memref<1x1x16384xf32, #tpu.memory_space<hbm>> -> memref<16384xf32, #tpu.memory_space<hbm>>
    tpu.enqueue_dma source(%arg5 : memref<16384xf32, #tpu.memory_space<vmem>>) target(%dma_start3A_139 : memref<16384xf32, #tpu.memory_space<hbm>>) target_semaphore(%arg7 : memref<!tpu.dma_semaphore, #tpu.memory_space<semaphore_mem>>)
    %dma_start3A_140 = arith.constant 18 : i32
    %dma_start3A_141 = arith.constant 0 : i32
    %dma_start3A_142 = tpu.memref_slice %arg3[%dma_start3A_140, %add3A_4, %dma_start3A_141] : memref<26x64x16384xf32, #tpu.memory_space<hbm>> -> memref<1x1x16384xf32, #tpu.memory_space<hbm>>
    %dma_start3A_143 = tpu.memref_squeeze %dma_start3A_142 : memref<1x1x16384xf32, #tpu.memory_space<hbm>> -> memref<16384xf32, #tpu.memory_space<hbm>>
    %dma_start3A_144 = arith.constant 0 : i32
    %dma_start3A_145 = tpu.memref_slice %arg3[%dma_start3A_140, %add3A_4, %dma_start3A_144] : memref<26x64x16384xf32, #tpu.memory_space<hbm>> -> memref<1x1x16384xf32, #tpu.memory_space<hbm>>
    %dma_start3A_146 = tpu.memref_squeeze %dma_start3A_145 : memref<1x1x16384xf32, #tpu.memory_space<hbm>> -> memref<16384xf32, #tpu.memory_space<hbm>>
    tpu.enqueue_dma source(%arg5 : memref<16384xf32, #tpu.memory_space<vmem>>) target(%dma_start3A_146 : memref<16384xf32, #tpu.memory_space<hbm>>) target_semaphore(%arg7 : memref<!tpu.dma_semaphore, #tpu.memory_space<semaphore_mem>>)
    %dma_start3A_147 = arith.constant 19 : i32
    %dma_start3A_148 = arith.constant 0 : i32
    %dma_start3A_149 = tpu.memref_slice %arg3[%dma_start3A_147, %add3A_4, %dma_start3A_148] : memref<26x64x16384xf32, #tpu.memory_space<hbm>> -> memref<1x1x16384xf32, #tpu.memory_space<hbm>>
    %dma_start3A_150 = tpu.memref_squeeze %dma_start3A_149 : memref<1x1x16384xf32, #tpu.memory_space<hbm>> -> memref<16384xf32, #tpu.memory_space<hbm>>
    %dma_start3A_151 = arith.constant 0 : i32
    %dma_start3A_152 = tpu.memref_slice %arg3[%dma_start3A_147, %add3A_4, %dma_start3A_151] : memref<26x64x16384xf32, #tpu.memory_space<hbm>> -> memref<1x1x16384xf32, #tpu.memory_space<hbm>>
    %dma_start3A_153 = tpu.memref_squeeze %dma_start3A_152 : memref<1x1x16384xf32, #tpu.memory_space<hbm>> -> memref<16384xf32, #tpu.memory_space<hbm>>
    tpu.enqueue_dma source(%arg5 : memref<16384xf32, #tpu.memory_space<vmem>>) target(%dma_start3A_153 : memref<16384xf32, #tpu.memory_space<hbm>>) target_semaphore(%arg7 : memref<!tpu.dma_semaphore, #tpu.memory_space<semaphore_mem>>)
    %dma_start3A_154 = arith.constant 20 : i32
    %dma_start3A_155 = arith.constant 0 : i32
    %dma_start3A_156 = tpu.memref_slice %arg3[%dma_start3A_154, %add3A_4, %dma_start3A_155] : memref<26x64x16384xf32, #tpu.memory_space<hbm>> -> memref<1x1x16384xf32, #tpu.memory_space<hbm>>
    %dma_start3A_157 = tpu.memref_squeeze %dma_start3A_156 : memref<1x1x16384xf32, #tpu.memory_space<hbm>> -> memref<16384xf32, #tpu.memory_space<hbm>>
    %dma_start3A_158 = arith.constant 0 : i32
    %dma_start3A_159 = tpu.memref_slice %arg3[%dma_start3A_154, %add3A_4, %dma_start3A_158] : memref<26x64x16384xf32, #tpu.memory_space<hbm>> -> memref<1x1x16384xf32, #tpu.memory_space<hbm>>
    %dma_start3A_160 = tpu.memref_squeeze %dma_start3A_159 : memref<1x1x16384xf32, #tpu.memory_space<hbm>> -> memref<16384xf32, #tpu.memory_space<hbm>>
    tpu.enqueue_dma source(%arg5 : memref<16384xf32, #tpu.memory_space<vmem>>) target(%dma_start3A_160 : memref<16384xf32, #tpu.memory_space<hbm>>) target_semaphore(%arg7 : memref<!tpu.dma_semaphore, #tpu.memory_space<semaphore_mem>>)
    %dma_start3A_161 = arith.constant 21 : i32
    %dma_start3A_162 = arith.constant 0 : i32
    %dma_start3A_163 = tpu.memref_slice %arg3[%dma_start3A_161, %add3A_4, %dma_start3A_162] : memref<26x64x16384xf32, #tpu.memory_space<hbm>> -> memref<1x1x16384xf32, #tpu.memory_space<hbm>>
    %dma_start3A_164 = tpu.memref_squeeze %dma_start3A_163 : memref<1x1x16384xf32, #tpu.memory_space<hbm>> -> memref<16384xf32, #tpu.memory_space<hbm>>
    %dma_start3A_165 = arith.constant 0 : i32
    %dma_start3A_166 = tpu.memref_slice %arg3[%dma_start3A_161, %add3A_4, %dma_start3A_165] : memref<26x64x16384xf32, #tpu.memory_space<hbm>> -> memref<1x1x16384xf32, #tpu.memory_space<hbm>>
    %dma_start3A_167 = tpu.memref_squeeze %dma_start3A_166 : memref<1x1x16384xf32, #tpu.memory_space<hbm>> -> memref<16384xf32, #tpu.memory_space<hbm>>
    tpu.enqueue_dma source(%arg5 : memref<16384xf32, #tpu.memory_space<vmem>>) target(%dma_start3A_167 : memref<16384xf32, #tpu.memory_space<hbm>>) target_semaphore(%arg7 : memref<!tpu.dma_semaphore, #tpu.memory_space<semaphore_mem>>)
    %dma_start3A_168 = arith.constant 22 : i32
    %dma_start3A_169 = arith.constant 0 : i32
    %dma_start3A_170 = tpu.memref_slice %arg3[%dma_start3A_168, %add3A_4, %dma_start3A_169] : memref<26x64x16384xf32, #tpu.memory_space<hbm>> -> memref<1x1x16384xf32, #tpu.memory_space<hbm>>
    %dma_start3A_171 = tpu.memref_squeeze %dma_start3A_170 : memref<1x1x16384xf32, #tpu.memory_space<hbm>> -> memref<16384xf32, #tpu.memory_space<hbm>>
    %dma_start3A_172 = arith.constant 0 : i32
    %dma_start3A_173 = tpu.memref_slice %arg3[%dma_start3A_168, %add3A_4, %dma_start3A_172] : memref<26x64x16384xf32, #tpu.memory_space<hbm>> -> memref<1x1x16384xf32, #tpu.memory_space<hbm>>
    %dma_start3A_174 = tpu.memref_squeeze %dma_start3A_173 : memref<1x1x16384xf32, #tpu.memory_space<hbm>> -> memref<16384xf32, #tpu.memory_space<hbm>>
    tpu.enqueue_dma source(%arg5 : memref<16384xf32, #tpu.memory_space<vmem>>) target(%dma_start3A_174 : memref<16384xf32, #tpu.memory_space<hbm>>) target_semaphore(%arg7 : memref<!tpu.dma_semaphore, #tpu.memory_space<semaphore_mem>>)
    %dma_start3A_175 = arith.constant 23 : i32
    %dma_start3A_176 = arith.constant 0 : i32
    %dma_start3A_177 = tpu.memref_slice %arg3[%dma_start3A_175, %add3A_4, %dma_start3A_176] : memref<26x64x16384xf32, #tpu.memory_space<hbm>> -> memref<1x1x16384xf32, #tpu.memory_space<hbm>>
    %dma_start3A_178 = tpu.memref_squeeze %dma_start3A_177 : memref<1x1x16384xf32, #tpu.memory_space<hbm>> -> memref<16384xf32, #tpu.memory_space<hbm>>
    %dma_start3A_179 = arith.constant 0 : i32
    %dma_start3A_180 = tpu.memref_slice %arg3[%dma_start3A_175, %add3A_4, %dma_start3A_179] : memref<26x64x16384xf32, #tpu.memory_space<hbm>> -> memref<1x1x16384xf32, #tpu.memory_space<hbm>>
    %dma_start3A_181 = tpu.memref_squeeze %dma_start3A_180 : memref<1x1x16384xf32, #tpu.memory_space<hbm>> -> memref<16384xf32, #tpu.memory_space<hbm>>
    tpu.enqueue_dma source(%arg5 : memref<16384xf32, #tpu.memory_space<vmem>>) target(%dma_start3A_181 : memref<16384xf32, #tpu.memory_space<hbm>>) target_semaphore(%arg7 : memref<!tpu.dma_semaphore, #tpu.memory_space<semaphore_mem>>)
    %dma_start3A_182 = arith.constant 24 : i32
    %dma_start3A_183 = arith.constant 0 : i32
    %dma_start3A_184 = tpu.memref_slice %arg3[%dma_start3A_182, %add3A_4, %dma_start3A_183] : memref<26x64x16384xf32, #tpu.memory_space<hbm>> -> memref<1x1x16384xf32, #tpu.memory_space<hbm>>
    %dma_start3A_185 = tpu.memref_squeeze %dma_start3A_184 : memref<1x1x16384xf32, #tpu.memory_space<hbm>> -> memref<16384xf32, #tpu.memory_space<hbm>>
    %dma_start3A_186 = arith.constant 0 : i32
    %dma_start3A_187 = tpu.memref_slice %arg3[%dma_start3A_182, %add3A_4, %dma_start3A_186] : memref<26x64x16384xf32, #tpu.memory_space<hbm>> -> memref<1x1x16384xf32, #tpu.memory_space<hbm>>
    %dma_start3A_188 = tpu.memref_squeeze %dma_start3A_187 : memref<1x1x16384xf32, #tpu.memory_space<hbm>> -> memref<16384xf32, #tpu.memory_space<hbm>>
    tpu.enqueue_dma source(%arg5 : memref<16384xf32, #tpu.memory_space<vmem>>) target(%dma_start3A_188 : memref<16384xf32, #tpu.memory_space<hbm>>) target_semaphore(%arg7 : memref<!tpu.dma_semaphore, #tpu.memory_space<semaphore_mem>>)
    %dma_start3A_189 = arith.constant 25 : i32
    %dma_start3A_190 = arith.constant 0 : i32
    %dma_start3A_191 = tpu.memref_slice %arg3[%dma_start3A_189, %add3A_4, %dma_start3A_190] : memref<26x64x16384xf32, #tpu.memory_space<hbm>> -> memref<1x1x16384xf32, #tpu.memory_space<hbm>>
    %dma_start3A_192 = tpu.memref_squeeze %dma_start3A_191 : memref<1x1x16384xf32, #tpu.memory_space<hbm>> -> memref<16384xf32, #tpu.memory_space<hbm>>
    %dma_start3A_193 = arith.constant 0 : i32
    %dma_start3A_194 = tpu.memref_slice %arg3[%dma_start3A_189, %add3A_4, %dma_start3A_193] : memref<26x64x16384xf32, #tpu.memory_space<hbm>> -> memref<1x1x16384xf32, #tpu.memory_space<hbm>>
    %dma_start3A_195 = tpu.memref_squeeze %dma_start3A_194 : memref<1x1x16384xf32, #tpu.memory_space<hbm>> -> memref<16384xf32, #tpu.memory_space<hbm>>
    tpu.enqueue_dma source(%arg5 : memref<16384xf32, #tpu.memory_space<vmem>>) target(%dma_start3A_195 : memref<16384xf32, #tpu.memory_space<hbm>>) target_semaphore(%arg7 : memref<!tpu.dma_semaphore, #tpu.memory_space<semaphore_mem>>)
    %mul3A_196 = arith.constant 2 : i32
    %mul3A_197 = arith.muli %add3A, %mul3A_196 : i32
    %add3A_198 = arith.constant 1 : i32
    %add3A_199 = arith.addi %mul3A_197, %add3A_198 : i32
    %broadcast_in_dim3A_200 = arith.constant 0.000000e+00 : f32
    %broadcast_in_dim3A_201 = vector.broadcast %broadcast_in_dim3A_200 : f32 to vector<16xf32>
    %get3A_202 = arith.index_cast %add3A_199 : i32 to index
    %get3A_203 = tpu.vector_load %arg4[%get3A_202] {strides = array<i32>} : memref<80xf32, #tpu.memory_space<vmem>>, vector<16xf32>,
    %get3A_204 = vector.shape_cast %get3A_203 : vector<16xf32> to vector<16xf32>
    %slice3A_205 = vector.extract_strided_slice %get3A_204 {offsets = [0], sizes = [1], strides = [1]} : vector<16xf32> to vector<1xf32>
    %squeeze3A_206 = vector.extract %slice3A_205[0] : f32 from vector<1xf32>
    %add3A_207 = vector.broadcast %squeeze3A_206 : f32 to vector<16xf32>
    %add3A_208 = arith.addf %broadcast_in_dim3A_201, %add3A_207 : vector<16xf32>
    %scan3A_209 = arith.constant 0 : i32
    %scan3A_210 = arith.constant 0 : i32
    %scan3A_211 = arith.constant 256 : i32
    %scan3A_212 = arith.addi %scan3A_210, %scan3A_211 : i32
    %scan3A_213 = arith.constant 1 : i32
    scf.for %scan3A_760 = %scan3A_210 to %scan3A_212 step %scan3A_213  : i32 {
      %mul3A_761 = arith.constant 64 : i32
      %mul3A_762 = arith.muli %scan3A_760, %mul3A_761 : i32
      %add3A_763 = arith.constant 0 : i32
      %add3A_764 = arith.addi %mul3A_762, %add3A_763 : i32
      %swap3A = arith.index_cast %add3A_764 : i32 to index
      %swap3A_765 = tpu.vector_load %arg6[%swap3A] {strides = array<i32>} : memref<16384xf32, #tpu.memory_space<vmem>>, vector<16xf32>,
      %swap3A_766 = vector.shape_cast %swap3A_765 : vector<16xf32> to vector<16xf32>
      %swap3A_767 = vector.shape_cast %add3A_208 : vector<16xf32> to vector<16xf32>
      tpu.vector_store %arg6[%swap3A], %swap3A_767 {strides = array<i32>} : memref<16384xf32, #tpu.memory_space<vmem>>, vector<16xf32>,
      %mul3A_768 = arith.constant 64 : i32
      %mul3A_769 = arith.muli %scan3A_760, %mul3A_768 : i32
      %add3A_770 = arith.constant 16 : i32
      %add3A_771 = arith.addi %mul3A_769, %add3A_770 : i32
      %swap3A_772 = arith.index_cast %add3A_771 : i32 to index
      %swap3A_773 = tpu.vector_load %arg6[%swap3A_772] {strides = array<i32>} : memref<16384xf32, #tpu.memory_space<vmem>>, vector<16xf32>,
      %swap3A_774 = vector.shape_cast %swap3A_773 : vector<16xf32> to vector<16xf32>
      %swap3A_775 = vector.shape_cast %add3A_208 : vector<16xf32> to vector<16xf32>
      tpu.vector_store %arg6[%swap3A_772], %swap3A_775 {strides = array<i32>} : memref<16384xf32, #tpu.memory_space<vmem>>, vector<16xf32>,
      %mul3A_776 = arith.constant 64 : i32
      %mul3A_777 = arith.muli %scan3A_760, %mul3A_776 : i32
      %add3A_778 = arith.constant 32 : i32
      %add3A_779 = arith.addi %mul3A_777, %add3A_778 : i32
      %swap3A_780 = arith.index_cast %add3A_779 : i32 to index
      %swap3A_781 = tpu.vector_load %arg6[%swap3A_780] {strides = array<i32>} : memref<16384xf32, #tpu.memory_space<vmem>>, vector<16xf32>,
      %swap3A_782 = vector.shape_cast %swap3A_781 : vector<16xf32> to vector<16xf32>
      %swap3A_783 = vector.shape_cast %add3A_208 : vector<16xf32> to vector<16xf32>
      tpu.vector_store %arg6[%swap3A_780], %swap3A_783 {strides = array<i32>} : memref<16384xf32, #tpu.memory_space<vmem>>, vector<16xf32>,
      %mul3A_784 = arith.constant 64 : i32
      %mul3A_785 = arith.muli %scan3A_760, %mul3A_784 : i32
      %add3A_786 = arith.constant 48 : i32
      %add3A_787 = arith.addi %mul3A_785, %add3A_786 : i32
      %swap3A_788 = arith.index_cast %add3A_787 : i32 to index
      %swap3A_789 = tpu.vector_load %arg6[%swap3A_788] {strides = array<i32>} : memref<16384xf32, #tpu.memory_space<vmem>>, vector<16xf32>,
      %swap3A_790 = vector.shape_cast %swap3A_789 : vector<16xf32> to vector<16xf32>
      %swap3A_791 = vector.shape_cast %add3A_208 : vector<16xf32> to vector<16xf32>
      tpu.vector_store %arg6[%swap3A_788], %swap3A_791 {strides = array<i32>} : memref<16384xf32, #tpu.memory_space<vmem>>, vector<16xf32>,
    }
    %scan3A_214 = arith.constant 256 : i32
    %dma_start3A_215 = arith.constant 0 : i32
    %dma_start3A_216 = arith.constant 0 : i32
    %dma_start3A_217 = tpu.memref_slice %arg3[%dma_start3A_215, %add3A_199, %dma_start3A_216] : memref<26x64x16384xf32, #tpu.memory_space<hbm>> -> memref<1x1x16384xf32, #tpu.memory_space<hbm>>
    %dma_start3A_218 = tpu.memref_squeeze %dma_start3A_217 : memref<1x1x16384xf32, #tpu.memory_space<hbm>> -> memref<16384xf32, #tpu.memory_space<hbm>>
    %dma_start3A_219 = arith.constant 0 : i32
    %dma_start3A_220 = tpu.memref_slice %arg3[%dma_start3A_215, %add3A_199, %dma_start3A_219] : memref<26x64x16384xf32, #tpu.memory_space<hbm>> -> memref<1x1x16384xf32, #tpu.memory_space<hbm>>
    %dma_start3A_221 = tpu.memref_squeeze %dma_start3A_220 : memref<1x1x16384xf32, #tpu.memory_space<hbm>> -> memref<16384xf32, #tpu.memory_space<hbm>>
    tpu.enqueue_dma source(%arg6 : memref<16384xf32, #tpu.memory_space<vmem>>) target(%dma_start3A_221 : memref<16384xf32, #tpu.memory_space<hbm>>) target_semaphore(%arg7 : memref<!tpu.dma_semaphore, #tpu.memory_space<semaphore_mem>>)
    %dma_start3A_222 = arith.constant 1 : i32
    %dma_start3A_223 = arith.constant 0 : i32
    %dma_start3A_224 = tpu.memref_slice %arg3[%dma_start3A_222, %add3A_199, %dma_start3A_223] : memref<26x64x16384xf32, #tpu.memory_space<hbm>> -> memref<1x1x16384xf32, #tpu.memory_space<hbm>>
    %dma_start3A_225 = tpu.memref_squeeze %dma_start3A_224 : memref<1x1x16384xf32, #tpu.memory_space<hbm>> -> memref<16384xf32, #tpu.memory_space<hbm>>
    %dma_start3A_226 = arith.constant 0 : i32
    %dma_start3A_227 = tpu.memref_slice %arg3[%dma_start3A_222, %add3A_199, %dma_start3A_226] : memref<26x64x16384xf32, #tpu.memory_space<hbm>> -> memref<1x1x16384xf32, #tpu.memory_space<hbm>>
    %dma_start3A_228 = tpu.memref_squeeze %dma_start3A_227 : memref<1x1x16384xf32, #tpu.memory_space<hbm>> -> memref<16384xf32, #tpu.memory_space<hbm>>
    tpu.enqueue_dma source(%arg6 : memref<16384xf32, #tpu.memory_space<vmem>>) target(%dma_start3A_228 : memref<16384xf32, #tpu.memory_space<hbm>>) target_semaphore(%arg7 : memref<!tpu.dma_semaphore, #tpu.memory_space<semaphore_mem>>)
    %dma_start3A_229 = arith.constant 2 : i32
    %dma_start3A_230 = arith.constant 0 : i32
    %dma_start3A_231 = tpu.memref_slice %arg3[%dma_start3A_229, %add3A_199, %dma_start3A_230] : memref<26x64x16384xf32, #tpu.memory_space<hbm>> -> memref<1x1x16384xf32, #tpu.memory_space<hbm>>
    %dma_start3A_232 = tpu.memref_squeeze %dma_start3A_231 : memref<1x1x16384xf32, #tpu.memory_space<hbm>> -> memref<16384xf32, #tpu.memory_space<hbm>>
    %dma_start3A_233 = arith.constant 0 : i32
    %dma_start3A_234 = tpu.memref_slice %arg3[%dma_start3A_229, %add3A_199, %dma_start3A_233] : memref<26x64x16384xf32, #tpu.memory_space<hbm>> -> memref<1x1x16384xf32, #tpu.memory_space<hbm>>
    %dma_start3A_235 = tpu.memref_squeeze %dma_start3A_234 : memref<1x1x16384xf32, #tpu.memory_space<hbm>> -> memref<16384xf32, #tpu.memory_space<hbm>>
    tpu.enqueue_dma source(%arg6 : memref<16384xf32, #tpu.memory_space<vmem>>) target(%dma_start3A_235 : memref<16384xf32, #tpu.memory_space<hbm>>) target_semaphore(%arg7 : memref<!tpu.dma_semaphore, #tpu.memory_space<semaphore_mem>>)
    %dma_start3A_236 = arith.constant 3 : i32
    %dma_start3A_237 = arith.constant 0 : i32
    %dma_start3A_238 = tpu.memref_slice %arg3[%dma_start3A_236, %add3A_199, %dma_start3A_237] : memref<26x64x16384xf32, #tpu.memory_space<hbm>> -> memref<1x1x16384xf32, #tpu.memory_space<hbm>>
    %dma_start3A_239 = tpu.memref_squeeze %dma_start3A_238 : memref<1x1x16384xf32, #tpu.memory_space<hbm>> -> memref<16384xf32, #tpu.memory_space<hbm>>
    %dma_start3A_240 = arith.constant 0 : i32
    %dma_start3A_241 = tpu.memref_slice %arg3[%dma_start3A_236, %add3A_199, %dma_start3A_240] : memref<26x64x16384xf32, #tpu.memory_space<hbm>> -> memref<1x1x16384xf32, #tpu.memory_space<hbm>>
    %dma_start3A_242 = tpu.memref_squeeze %dma_start3A_241 : memref<1x1x16384xf32, #tpu.memory_space<hbm>> -> memref<16384xf32, #tpu.memory_space<hbm>>
    tpu.enqueue_dma source(%arg6 : memref<16384xf32, #tpu.memory_space<vmem>>) target(%dma_start3A_242 : memref<16384xf32, #tpu.memory_space<hbm>>) target_semaphore(%arg7 : memref<!tpu.dma_semaphore, #tpu.memory_space<semaphore_mem>>)
    %dma_start3A_243 = arith.constant 4 : i32
    %dma_start3A_244 = arith.constant 0 : i32
    %dma_start3A_245 = tpu.memref_slice %arg3[%dma_start3A_243, %add3A_199, %dma_start3A_244] : memref<26x64x16384xf32, #tpu.memory_space<hbm>> -> memref<1x1x16384xf32, #tpu.memory_space<hbm>>
    %dma_start3A_246 = tpu.memref_squeeze %dma_start3A_245 : memref<1x1x16384xf32, #tpu.memory_space<hbm>> -> memref<16384xf32, #tpu.memory_space<hbm>>
    %dma_start3A_247 = arith.constant 0 : i32
    %dma_start3A_248 = tpu.memref_slice %arg3[%dma_start3A_243, %add3A_199, %dma_start3A_247] : memref<26x64x16384xf32, #tpu.memory_space<hbm>> -> memref<1x1x16384xf32, #tpu.memory_space<hbm>>
    %dma_start3A_249 = tpu.memref_squeeze %dma_start3A_248 : memref<1x1x16384xf32, #tpu.memory_space<hbm>> -> memref<16384xf32, #tpu.memory_space<hbm>>
    tpu.enqueue_dma source(%arg6 : memref<16384xf32, #tpu.memory_space<vmem>>) target(%dma_start3A_249 : memref<16384xf32, #tpu.memory_space<hbm>>) target_semaphore(%arg7 : memref<!tpu.dma_semaphore, #tpu.memory_space<semaphore_mem>>)
    %dma_start3A_250 = arith.constant 5 : i32
    %dma_start3A_251 = arith.constant 0 : i32
    %dma_start3A_252 = tpu.memref_slice %arg3[%dma_start3A_250, %add3A_199, %dma_start3A_251] : memref<26x64x16384xf32, #tpu.memory_space<hbm>> -> memref<1x1x16384xf32, #tpu.memory_space<hbm>>
    %dma_start3A_253 = tpu.memref_squeeze %dma_start3A_252 : memref<1x1x16384xf32, #tpu.memory_space<hbm>> -> memref<16384xf32, #tpu.memory_space<hbm>>
    %dma_start3A_254 = arith.constant 0 : i32
    %dma_start3A_255 = tpu.memref_slice %arg3[%dma_start3A_250, %add3A_199, %dma_start3A_254] : memref<26x64x16384xf32, #tpu.memory_space<hbm>> -> memref<1x1x16384xf32, #tpu.memory_space<hbm>>
    %dma_start3A_256 = tpu.memref_squeeze %dma_start3A_255 : memref<1x1x16384xf32, #tpu.memory_space<hbm>> -> memref<16384xf32, #tpu.memory_space<hbm>>
    tpu.enqueue_dma source(%arg6 : memref<16384xf32, #tpu.memory_space<vmem>>) target(%dma_start3A_256 : memref<16384xf32, #tpu.memory_space<hbm>>) target_semaphore(%arg7 : memref<!tpu.dma_semaphore, #tpu.memory_space<semaphore_mem>>)
    %dma_start3A_257 = arith.constant 6 : i32
    %dma_start3A_258 = arith.constant 0 : i32
    %dma_start3A_259 = tpu.memref_slice %arg3[%dma_start3A_257, %add3A_199, %dma_start3A_258] : memref<26x64x16384xf32, #tpu.memory_space<hbm>> -> memref<1x1x16384xf32, #tpu.memory_space<hbm>>
    %dma_start3A_260 = tpu.memref_squeeze %dma_start3A_259 : memref<1x1x16384xf32, #tpu.memory_space<hbm>> -> memref<16384xf32, #tpu.memory_space<hbm>>
    %dma_start3A_261 = arith.constant 0 : i32
    %dma_start3A_262 = tpu.memref_slice %arg3[%dma_start3A_257, %add3A_199, %dma_start3A_261] : memref<26x64x16384xf32, #tpu.memory_space<hbm>> -> memref<1x1x16384xf32, #tpu.memory_space<hbm>>
    %dma_start3A_263 = tpu.memref_squeeze %dma_start3A_262 : memref<1x1x16384xf32, #tpu.memory_space<hbm>> -> memref<16384xf32, #tpu.memory_space<hbm>>
    tpu.enqueue_dma source(%arg6 : memref<16384xf32, #tpu.memory_space<vmem>>) target(%dma_start3A_263 : memref<16384xf32, #tpu.memory_space<hbm>>) target_semaphore(%arg7 : memref<!tpu.dma_semaphore, #tpu.memory_space<semaphore_mem>>)
    %dma_start3A_264 = arith.constant 7 : i32
    %dma_start3A_265 = arith.constant 0 : i32
    %dma_start3A_266 = tpu.memref_slice %arg3[%dma_start3A_264, %add3A_199, %dma_start3A_265] : memref<26x64x16384xf32, #tpu.memory_space<hbm>> -> memref<1x1x16384xf32, #tpu.memory_space<hbm>>
    %dma_start3A_267 = tpu.memref_squeeze %dma_start3A_266 : memref<1x1x16384xf32, #tpu.memory_space<hbm>> -> memref<16384xf32, #tpu.memory_space<hbm>>
    %dma_start3A_268 = arith.constant 0 : i32
    %dma_start3A_269 = tpu.memref_slice %arg3[%dma_start3A_264, %add3A_199, %dma_start3A_268] : memref<26x64x16384xf32, #tpu.memory_space<hbm>> -> memref<1x1x16384xf32, #tpu.memory_space<hbm>>
    %dma_start3A_270 = tpu.memref_squeeze %dma_start3A_269 : memref<1x1x16384xf32, #tpu.memory_space<hbm>> -> memref<16384xf32, #tpu.memory_space<hbm>>
    tpu.enqueue_dma source(%arg6 : memref<16384xf32, #tpu.memory_space<vmem>>) target(%dma_start3A_270 : memref<16384xf32, #tpu.memory_space<hbm>>) target_semaphore(%arg7 : memref<!tpu.dma_semaphore, #tpu.memory_space<semaphore_mem>>)
    %dma_start3A_271 = arith.constant 8 : i32
    %dma_start3A_272 = arith.constant 0 : i32
    %dma_start3A_273 = tpu.memref_slice %arg3[%dma_start3A_271, %add3A_199, %dma_start3A_272] : memref<26x64x16384xf32, #tpu.memory_space<hbm>> -> memref<1x1x16384xf32, #tpu.memory_space<hbm>>
    %dma_start3A_274 = tpu.memref_squeeze %dma_start3A_273 : memref<1x1x16384xf32, #tpu.memory_space<hbm>> -> memref<16384xf32, #tpu.memory_space<hbm>>
    %dma_start3A_275 = arith.constant 0 : i32
    %dma_start3A_276 = tpu.memref_slice %arg3[%dma_start3A_271, %add3A_199, %dma_start3A_275] : memref<26x64x16384xf32, #tpu.memory_space<hbm>> -> memref<1x1x16384xf32, #tpu.memory_space<hbm>>
    %dma_start3A_277 = tpu.memref_squeeze %dma_start3A_276 : memref<1x1x16384xf32, #tpu.memory_space<hbm>> -> memref<16384xf32, #tpu.memory_space<hbm>>
    tpu.enqueue_dma source(%arg6 : memref<16384xf32, #tpu.memory_space<vmem>>) target(%dma_start3A_277 : memref<16384xf32, #tpu.memory_space<hbm>>) target_semaphore(%arg7 : memref<!tpu.dma_semaphore, #tpu.memory_space<semaphore_mem>>)
    %dma_start3A_278 = arith.constant 9 : i32
    %dma_start3A_279 = arith.constant 0 : i32
    %dma_start3A_280 = tpu.memref_slice %arg3[%dma_start3A_278, %add3A_199, %dma_start3A_279] : memref<26x64x16384xf32, #tpu.memory_space<hbm>> -> memref<1x1x16384xf32, #tpu.memory_space<hbm>>
    %dma_start3A_281 = tpu.memref_squeeze %dma_start3A_280 : memref<1x1x16384xf32, #tpu.memory_space<hbm>> -> memref<16384xf32, #tpu.memory_space<hbm>>
    %dma_start3A_282 = arith.constant 0 : i32
    %dma_start3A_283 = tpu.memref_slice %arg3[%dma_start3A_278, %add3A_199, %dma_start3A_282] : memref<26x64x16384xf32, #tpu.memory_space<hbm>> -> memref<1x1x16384xf32, #tpu.memory_space<hbm>>
    %dma_start3A_284 = tpu.memref_squeeze %dma_start3A_283 : memref<1x1x16384xf32, #tpu.memory_space<hbm>> -> memref<16384xf32, #tpu.memory_space<hbm>>
    tpu.enqueue_dma source(%arg6 : memref<16384xf32, #tpu.memory_space<vmem>>) target(%dma_start3A_284 : memref<16384xf32, #tpu.memory_space<hbm>>) target_semaphore(%arg7 : memref<!tpu.dma_semaphore, #tpu.memory_space<semaphore_mem>>)
    %dma_start3A_285 = arith.constant 10 : i32
    %dma_start3A_286 = arith.constant 0 : i32
    %dma_start3A_287 = tpu.memref_slice %arg3[%dma_start3A_285, %add3A_199, %dma_start3A_286] : memref<26x64x16384xf32, #tpu.memory_space<hbm>> -> memref<1x1x16384xf32, #tpu.memory_space<hbm>>
    %dma_start3A_288 = tpu.memref_squeeze %dma_start3A_287 : memref<1x1x16384xf32, #tpu.memory_space<hbm>> -> memref<16384xf32, #tpu.memory_space<hbm>>
    %dma_start3A_289 = arith.constant 0 : i32
    %dma_start3A_290 = tpu.memref_slice %arg3[%dma_start3A_285, %add3A_199, %dma_start3A_289] : memref<26x64x16384xf32, #tpu.memory_space<hbm>> -> memref<1x1x16384xf32, #tpu.memory_space<hbm>>
    %dma_start3A_291 = tpu.memref_squeeze %dma_start3A_290 : memref<1x1x16384xf32, #tpu.memory_space<hbm>> -> memref<16384xf32, #tpu.memory_space<hbm>>
    tpu.enqueue_dma source(%arg6 : memref<16384xf32, #tpu.memory_space<vmem>>) target(%dma_start3A_291 : memref<16384xf32, #tpu.memory_space<hbm>>) target_semaphore(%arg7 : memref<!tpu.dma_semaphore, #tpu.memory_space<semaphore_mem>>)
    %dma_start3A_292 = arith.constant 11 : i32
    %dma_start3A_293 = arith.constant 0 : i32
    %dma_start3A_294 = tpu.memref_slice %arg3[%dma_start3A_292, %add3A_199, %dma_start3A_293] : memref<26x64x16384xf32, #tpu.memory_space<hbm>> -> memref<1x1x16384xf32, #tpu.memory_space<hbm>>
    %dma_start3A_295 = tpu.memref_squeeze %dma_start3A_294 : memref<1x1x16384xf32, #tpu.memory_space<hbm>> -> memref<16384xf32, #tpu.memory_space<hbm>>
    %dma_start3A_296 = arith.constant 0 : i32
    %dma_start3A_297 = tpu.memref_slice %arg3[%dma_start3A_292, %add3A_199, %dma_start3A_296] : memref<26x64x16384xf32, #tpu.memory_space<hbm>> -> memref<1x1x16384xf32, #tpu.memory_space<hbm>>
    %dma_start3A_298 = tpu.memref_squeeze %dma_start3A_297 : memref<1x1x16384xf32, #tpu.memory_space<hbm>> -> memref<16384xf32, #tpu.memory_space<hbm>>
    tpu.enqueue_dma source(%arg6 : memref<16384xf32, #tpu.memory_space<vmem>>) target(%dma_start3A_298 : memref<16384xf32, #tpu.memory_space<hbm>>) target_semaphore(%arg7 : memref<!tpu.dma_semaphore, #tpu.memory_space<semaphore_mem>>)
    %dma_start3A_299 = arith.constant 12 : i32
    %dma_start3A_300 = arith.constant 0 : i32
    %dma_start3A_301 = tpu.memref_slice %arg3[%dma_start3A_299, %add3A_199, %dma_start3A_300] : memref<26x64x16384xf32, #tpu.memory_space<hbm>> -> memref<1x1x16384xf32, #tpu.memory_space<hbm>>
    %dma_start3A_302 = tpu.memref_squeeze %dma_start3A_301 : memref<1x1x16384xf32, #tpu.memory_space<hbm>> -> memref<16384xf32, #tpu.memory_space<hbm>>
    %dma_start3A_303 = arith.constant 0 : i32
    %dma_start3A_304 = tpu.memref_slice %arg3[%dma_start3A_299, %add3A_199, %dma_start3A_303] : memref<26x64x16384xf32, #tpu.memory_space<hbm>> -> memref<1x1x16384xf32, #tpu.memory_space<hbm>>
    %dma_start3A_305 = tpu.memref_squeeze %dma_start3A_304 : memref<1x1x16384xf32, #tpu.memory_space<hbm>> -> memref<16384xf32, #tpu.memory_space<hbm>>
    tpu.enqueue_dma source(%arg6 : memref<16384xf32, #tpu.memory_space<vmem>>) target(%dma_start3A_305 : memref<16384xf32, #tpu.memory_space<hbm>>) target_semaphore(%arg7 : memref<!tpu.dma_semaphore, #tpu.memory_space<semaphore_mem>>)
    %dma_start3A_306 = arith.constant 13 : i32
    %dma_start3A_307 = arith.constant 0 : i32
    %dma_start3A_308 = tpu.memref_slice %arg3[%dma_start3A_306, %add3A_199, %dma_start3A_307] : memref<26x64x16384xf32, #tpu.memory_space<hbm>> -> memref<1x1x16384xf32, #tpu.memory_space<hbm>>
    %dma_start3A_309 = tpu.memref_squeeze %dma_start3A_308 : memref<1x1x16384xf32, #tpu.memory_space<hbm>> -> memref<16384xf32, #tpu.memory_space<hbm>>
    %dma_start3A_310 = arith.constant 0 : i32
    %dma_start3A_311 = tpu.memref_slice %arg3[%dma_start3A_306, %add3A_199, %dma_start3A_310] : memref<26x64x16384xf32, #tpu.memory_space<hbm>> -> memref<1x1x16384xf32, #tpu.memory_space<hbm>>
    %dma_start3A_312 = tpu.memref_squeeze %dma_start3A_311 : memref<1x1x16384xf32, #tpu.memory_space<hbm>> -> memref<16384xf32, #tpu.memory_space<hbm>>
    tpu.enqueue_dma source(%arg6 : memref<16384xf32, #tpu.memory_space<vmem>>) target(%dma_start3A_312 : memref<16384xf32, #tpu.memory_space<hbm>>) target_semaphore(%arg7 : memref<!tpu.dma_semaphore, #tpu.memory_space<semaphore_mem>>)
    %dma_start3A_313 = arith.constant 14 : i32
    %dma_start3A_314 = arith.constant 0 : i32
    %dma_start3A_315 = tpu.memref_slice %arg3[%dma_start3A_313, %add3A_199, %dma_start3A_314] : memref<26x64x16384xf32, #tpu.memory_space<hbm>> -> memref<1x1x16384xf32, #tpu.memory_space<hbm>>
    %dma_start3A_316 = tpu.memref_squeeze %dma_start3A_315 : memref<1x1x16384xf32, #tpu.memory_space<hbm>> -> memref<16384xf32, #tpu.memory_space<hbm>>
    %dma_start3A_317 = arith.constant 0 : i32
    %dma_start3A_318 = tpu.memref_slice %arg3[%dma_start3A_313, %add3A_199, %dma_start3A_317] : memref<26x64x16384xf32, #tpu.memory_space<hbm>> -> memref<1x1x16384xf32, #tpu.memory_space<hbm>>
    %dma_start3A_319 = tpu.memref_squeeze %dma_start3A_318 : memref<1x1x16384xf32, #tpu.memory_space<hbm>> -> memref<16384xf32, #tpu.memory_space<hbm>>
    tpu.enqueue_dma source(%arg6 : memref<16384xf32, #tpu.memory_space<vmem>>) target(%dma_start3A_319 : memref<16384xf32, #tpu.memory_space<hbm>>) target_semaphore(%arg7 : memref<!tpu.dma_semaphore, #tpu.memory_space<semaphore_mem>>)
    %dma_start3A_320 = arith.constant 15 : i32
    %dma_start3A_321 = arith.constant 0 : i32
    %dma_start3A_322 = tpu.memref_slice %arg3[%dma_start3A_320, %add3A_199, %dma_start3A_321] : memref<26x64x16384xf32, #tpu.memory_space<hbm>> -> memref<1x1x16384xf32, #tpu.memory_space<hbm>>
    %dma_start3A_323 = tpu.memref_squeeze %dma_start3A_322 : memref<1x1x16384xf32, #tpu.memory_space<hbm>> -> memref<16384xf32, #tpu.memory_space<hbm>>
    %dma_start3A_324 = arith.constant 0 : i32
    %dma_start3A_325 = tpu.memref_slice %arg3[%dma_start3A_320, %add3A_199, %dma_start3A_324] : memref<26x64x16384xf32, #tpu.memory_space<hbm>> -> memref<1x1x16384xf32, #tpu.memory_space<hbm>>
    %dma_start3A_326 = tpu.memref_squeeze %dma_start3A_325 : memref<1x1x16384xf32, #tpu.memory_space<hbm>> -> memref<16384xf32, #tpu.memory_space<hbm>>
    tpu.enqueue_dma source(%arg6 : memref<16384xf32, #tpu.memory_space<vmem>>) target(%dma_start3A_326 : memref<16384xf32, #tpu.memory_space<hbm>>) target_semaphore(%arg7 : memref<!tpu.dma_semaphore, #tpu.memory_space<semaphore_mem>>)
    %dma_start3A_327 = arith.constant 16 : i32
    %dma_start3A_328 = arith.constant 0 : i32
    %dma_start3A_329 = tpu.memref_slice %arg3[%dma_start3A_327, %add3A_199, %dma_start3A_328] : memref<26x64x16384xf32, #tpu.memory_space<hbm>> -> memref<1x1x16384xf32, #tpu.memory_space<hbm>>
    %dma_start3A_330 = tpu.memref_squeeze %dma_start3A_329 : memref<1x1x16384xf32, #tpu.memory_space<hbm>> -> memref<16384xf32, #tpu.memory_space<hbm>>
    %dma_start3A_331 = arith.constant 0 : i32
    %dma_start3A_332 = tpu.memref_slice %arg3[%dma_start3A_327, %add3A_199, %dma_start3A_331] : memref<26x64x16384xf32, #tpu.memory_space<hbm>> -> memref<1x1x16384xf32, #tpu.memory_space<hbm>>
    %dma_start3A_333 = tpu.memref_squeeze %dma_start3A_332 : memref<1x1x16384xf32, #tpu.memory_space<hbm>> -> memref<16384xf32, #tpu.memory_space<hbm>>
    tpu.enqueue_dma source(%arg6 : memref<16384xf32, #tpu.memory_space<vmem>>) target(%dma_start3A_333 : memref<16384xf32, #tpu.memory_space<hbm>>) target_semaphore(%arg7 : memref<!tpu.dma_semaphore, #tpu.memory_space<semaphore_mem>>)
    %dma_start3A_334 = arith.constant 17 : i32
    %dma_start3A_335 = arith.constant 0 : i32
    %dma_start3A_336 = tpu.memref_slice %arg3[%dma_start3A_334, %add3A_199, %dma_start3A_335] : memref<26x64x16384xf32, #tpu.memory_space<hbm>> -> memref<1x1x16384xf32, #tpu.memory_space<hbm>>
    %dma_start3A_337 = tpu.memref_squeeze %dma_start3A_336 : memref<1x1x16384xf32, #tpu.memory_space<hbm>> -> memref<16384xf32, #tpu.memory_space<hbm>>
    %dma_start3A_338 = arith.constant 0 : i32
    %dma_start3A_339 = tpu.memref_slice %arg3[%dma_start3A_334, %add3A_199, %dma_start3A_338] : memref<26x64x16384xf32, #tpu.memory_space<hbm>> -> memref<1x1x16384xf32, #tpu.memory_space<hbm>>
    %dma_start3A_340 = tpu.memref_squeeze %dma_start3A_339 : memref<1x1x16384xf32, #tpu.memory_space<hbm>> -> memref<16384xf32, #tpu.memory_space<hbm>>
    tpu.enqueue_dma source(%arg6 : memref<16384xf32, #tpu.memory_space<vmem>>) target(%dma_start3A_340 : memref<16384xf32, #tpu.memory_space<hbm>>) target_semaphore(%arg7 : memref<!tpu.dma_semaphore, #tpu.memory_space<semaphore_mem>>)
    %dma_start3A_341 = arith.constant 18 : i32
    %dma_start3A_342 = arith.constant 0 : i32
    %dma_start3A_343 = tpu.memref_slice %arg3[%dma_start3A_341, %add3A_199, %dma_start3A_342] : memref<26x64x16384xf32, #tpu.memory_space<hbm>> -> memref<1x1x16384xf32, #tpu.memory_space<hbm>>
    %dma_start3A_344 = tpu.memref_squeeze %dma_start3A_343 : memref<1x1x16384xf32, #tpu.memory_space<hbm>> -> memref<16384xf32, #tpu.memory_space<hbm>>
    %dma_start3A_345 = arith.constant 0 : i32
    %dma_start3A_346 = tpu.memref_slice %arg3[%dma_start3A_341, %add3A_199, %dma_start3A_345] : memref<26x64x16384xf32, #tpu.memory_space<hbm>> -> memref<1x1x16384xf32, #tpu.memory_space<hbm>>
    %dma_start3A_347 = tpu.memref_squeeze %dma_start3A_346 : memref<1x1x16384xf32, #tpu.memory_space<hbm>> -> memref<16384xf32, #tpu.memory_space<hbm>>
    tpu.enqueue_dma source(%arg6 : memref<16384xf32, #tpu.memory_space<vmem>>) target(%dma_start3A_347 : memref<16384xf32, #tpu.memory_space<hbm>>) target_semaphore(%arg7 : memref<!tpu.dma_semaphore, #tpu.memory_space<semaphore_mem>>)
    %dma_start3A_348 = arith.constant 19 : i32
    %dma_start3A_349 = arith.constant 0 : i32
    %dma_start3A_350 = tpu.memref_slice %arg3[%dma_start3A_348, %add3A_199, %dma_start3A_349] : memref<26x64x16384xf32, #tpu.memory_space<hbm>> -> memref<1x1x16384xf32, #tpu.memory_space<hbm>>
    %dma_start3A_351 = tpu.memref_squeeze %dma_start3A_350 : memref<1x1x16384xf32, #tpu.memory_space<hbm>> -> memref<16384xf32, #tpu.memory_space<hbm>>
    %dma_start3A_352 = arith.constant 0 : i32
    %dma_start3A_353 = tpu.memref_slice %arg3[%dma_start3A_348, %add3A_199, %dma_start3A_352] : memref<26x64x16384xf32, #tpu.memory_space<hbm>> -> memref<1x1x16384xf32, #tpu.memory_space<hbm>>
    %dma_start3A_354 = tpu.memref_squeeze %dma_start3A_353 : memref<1x1x16384xf32, #tpu.memory_space<hbm>> -> memref<16384xf32, #tpu.memory_space<hbm>>
    tpu.enqueue_dma source(%arg6 : memref<16384xf32, #tpu.memory_space<vmem>>) target(%dma_start3A_354 : memref<16384xf32, #tpu.memory_space<hbm>>) target_semaphore(%arg7 : memref<!tpu.dma_semaphore, #tpu.memory_space<semaphore_mem>>)
    %dma_start3A_355 = arith.constant 20 : i32
    %dma_start3A_356 = arith.constant 0 : i32
    %dma_start3A_357 = tpu.memref_slice %arg3[%dma_start3A_355, %add3A_199, %dma_start3A_356] : memref<26x64x16384xf32, #tpu.memory_space<hbm>> -> memref<1x1x16384xf32, #tpu.memory_space<hbm>>
    %dma_start3A_358 = tpu.memref_squeeze %dma_start3A_357 : memref<1x1x16384xf32, #tpu.memory_space<hbm>> -> memref<16384xf32, #tpu.memory_space<hbm>>
    %dma_start3A_359 = arith.constant 0 : i32
    %dma_start3A_360 = tpu.memref_slice %arg3[%dma_start3A_355, %add3A_199, %dma_start3A_359] : memref<26x64x16384xf32, #tpu.memory_space<hbm>> -> memref<1x1x16384xf32, #tpu.memory_space<hbm>>
    %dma_start3A_361 = tpu.memref_squeeze %dma_start3A_360 : memref<1x1x16384xf32, #tpu.memory_space<hbm>> -> memref<16384xf32, #tpu.memory_space<hbm>>
    tpu.enqueue_dma source(%arg6 : memref<16384xf32, #tpu.memory_space<vmem>>) target(%dma_start3A_361 : memref<16384xf32, #tpu.memory_space<hbm>>) target_semaphore(%arg7 : memref<!tpu.dma_semaphore, #tpu.memory_space<semaphore_mem>>)
    %dma_start3A_362 = arith.constant 21 : i32
    %dma_start3A_363 = arith.constant 0 : i32
    %dma_start3A_364 = tpu.memref_slice %arg3[%dma_start3A_362, %add3A_199, %dma_start3A_363] : memref<26x64x16384xf32, #tpu.memory_space<hbm>> -> memref<1x1x16384xf32, #tpu.memory_space<hbm>>
    %dma_start3A_365 = tpu.memref_squeeze %dma_start3A_364 : memref<1x1x16384xf32, #tpu.memory_space<hbm>> -> memref<16384xf32, #tpu.memory_space<hbm>>
    %dma_start3A_366 = arith.constant 0 : i32
    %dma_start3A_367 = tpu.memref_slice %arg3[%dma_start3A_362, %add3A_199, %dma_start3A_366] : memref<26x64x16384xf32, #tpu.memory_space<hbm>> -> memref<1x1x16384xf32, #tpu.memory_space<hbm>>
    %dma_start3A_368 = tpu.memref_squeeze %dma_start3A_367 : memref<1x1x16384xf32, #tpu.memory_space<hbm>> -> memref<16384xf32, #tpu.memory_space<hbm>>
    tpu.enqueue_dma source(%arg6 : memref<16384xf32, #tpu.memory_space<vmem>>) target(%dma_start3A_368 : memref<16384xf32, #tpu.memory_space<hbm>>) target_semaphore(%arg7 : memref<!tpu.dma_semaphore, #tpu.memory_space<semaphore_mem>>)
    %dma_start3A_369 = arith.constant 22 : i32
    %dma_start3A_370 = arith.constant 0 : i32
    %dma_start3A_371 = tpu.memref_slice %arg3[%dma_start3A_369, %add3A_199, %dma_start3A_370] : memref<26x64x16384xf32, #tpu.memory_space<hbm>> -> memref<1x1x16384xf32, #tpu.memory_space<hbm>>
    %dma_start3A_372 = tpu.memref_squeeze %dma_start3A_371 : memref<1x1x16384xf32, #tpu.memory_space<hbm>> -> memref<16384xf32, #tpu.memory_space<hbm>>
    %dma_start3A_373 = arith.constant 0 : i32
    %dma_start3A_374 = tpu.memref_slice %arg3[%dma_start3A_369, %add3A_199, %dma_start3A_373] : memref<26x64x16384xf32, #tpu.memory_space<hbm>> -> memref<1x1x16384xf32, #tpu.memory_space<hbm>>
    %dma_start3A_375 = tpu.memref_squeeze %dma_start3A_374 : memref<1x1x16384xf32, #tpu.memory_space<hbm>> -> memref<16384xf32, #tpu.memory_space<hbm>>
    tpu.enqueue_dma source(%arg6 : memref<16384xf32, #tpu.memory_space<vmem>>) target(%dma_start3A_375 : memref<16384xf32, #tpu.memory_space<hbm>>) target_semaphore(%arg7 : memref<!tpu.dma_semaphore, #tpu.memory_space<semaphore_mem>>)
    %dma_start3A_376 = arith.constant 23 : i32
    %dma_start3A_377 = arith.constant 0 : i32
    %dma_start3A_378 = tpu.memref_slice %arg3[%dma_start3A_376, %add3A_199, %dma_start3A_377] : memref<26x64x16384xf32, #tpu.memory_space<hbm>> -> memref<1x1x16384xf32, #tpu.memory_space<hbm>>
    %dma_start3A_379 = tpu.memref_squeeze %dma_start3A_378 : memref<1x1x16384xf32, #tpu.memory_space<hbm>> -> memref<16384xf32, #tpu.memory_space<hbm>>
    %dma_start3A_380 = arith.constant 0 : i32
    %dma_start3A_381 = tpu.memref_slice %arg3[%dma_start3A_376, %add3A_199, %dma_start3A_380] : memref<26x64x16384xf32, #tpu.memory_space<hbm>> -> memref<1x1x16384xf32, #tpu.memory_space<hbm>>
    %dma_start3A_382 = tpu.memref_squeeze %dma_start3A_381 : memref<1x1x16384xf32, #tpu.memory_space<hbm>> -> memref<16384xf32, #tpu.memory_space<hbm>>
    tpu.enqueue_dma source(%arg6 : memref<16384xf32, #tpu.memory_space<vmem>>) target(%dma_start3A_382 : memref<16384xf32, #tpu.memory_space<hbm>>) target_semaphore(%arg7 : memref<!tpu.dma_semaphore, #tpu.memory_space<semaphore_mem>>)
    %dma_start3A_383 = arith.constant 24 : i32
    %dma_start3A_384 = arith.constant 0 : i32
    %dma_start3A_385 = tpu.memref_slice %arg3[%dma_start3A_383, %add3A_199, %dma_start3A_384] : memref<26x64x16384xf32, #tpu.memory_space<hbm>> -> memref<1x1x16384xf32, #tpu.memory_space<hbm>>
    %dma_start3A_386 = tpu.memref_squeeze %dma_start3A_385 : memref<1x1x16384xf32, #tpu.memory_space<hbm>> -> memref<16384xf32, #tpu.memory_space<hbm>>
    %dma_start3A_387 = arith.constant 0 : i32
    %dma_start3A_388 = tpu.memref_slice %arg3[%dma_start3A_383, %add3A_199, %dma_start3A_387] : memref<26x64x16384xf32, #tpu.memory_space<hbm>> -> memref<1x1x16384xf32, #tpu.memory_space<hbm>>
    %dma_start3A_389 = tpu.memref_squeeze %dma_start3A_388 : memref<1x1x16384xf32, #tpu.memory_space<hbm>> -> memref<16384xf32, #tpu.memory_space<hbm>>
    tpu.enqueue_dma source(%arg6 : memref<16384xf32, #tpu.memory_space<vmem>>) target(%dma_start3A_389 : memref<16384xf32, #tpu.memory_space<hbm>>) target_semaphore(%arg7 : memref<!tpu.dma_semaphore, #tpu.memory_space<semaphore_mem>>)
    %dma_start3A_390 = arith.constant 25 : i32
    %dma_start3A_391 = arith.constant 0 : i32
    %dma_start3A_392 = tpu.memref_slice %arg3[%dma_start3A_390, %add3A_199, %dma_start3A_391] : memref<26x64x16384xf32, #tpu.memory_space<hbm>> -> memref<1x1x16384xf32, #tpu.memory_space<hbm>>
    %dma_start3A_393 = tpu.memref_squeeze %dma_start3A_392 : memref<1x1x16384xf32, #tpu.memory_space<hbm>> -> memref<16384xf32, #tpu.memory_space<hbm>>
    %dma_start3A_394 = arith.constant 0 : i32
    %dma_start3A_395 = tpu.memref_slice %arg3[%dma_start3A_390, %add3A_199, %dma_start3A_394] : memref<26x64x16384xf32, #tpu.memory_space<hbm>> -> memref<1x1x16384xf32, #tpu.memory_space<hbm>>
    %dma_start3A_396 = tpu.memref_squeeze %dma_start3A_395 : memref<1x1x16384xf32, #tpu.memory_space<hbm>> -> memref<16384xf32, #tpu.memory_space<hbm>>
    tpu.enqueue_dma source(%arg6 : memref<16384xf32, #tpu.memory_space<vmem>>) target(%dma_start3A_396 : memref<16384xf32, #tpu.memory_space<hbm>>) target_semaphore(%arg7 : memref<!tpu.dma_semaphore, #tpu.memory_space<semaphore_mem>>)
    %dma_wait3A = arith.constant 0 : i32
    %dma_wait3A_397 = arith.constant 0 : i32
    %dma_wait3A_398 = tpu.memref_slice %arg3[%dma_wait3A, %add3A_4, %dma_wait3A_397] : memref<26x64x16384xf32, #tpu.memory_space<hbm>> -> memref<1x1x16384xf32, #tpu.memory_space<hbm>>
    %dma_wait3A_399 = tpu.memref_squeeze %dma_wait3A_398 : memref<1x1x16384xf32, #tpu.memory_space<hbm>> -> memref<16384xf32, #tpu.memory_space<hbm>>
    %dma_wait3A_400 = arith.constant 0 : i32
    %dma_wait3A_401 = tpu.memref_slice %arg3[%dma_wait3A, %add3A_4, %dma_wait3A_400] : memref<26x64x16384xf32, #tpu.memory_space<hbm>> -> memref<1x1x16384xf32, #tpu.memory_space<hbm>>
    %dma_wait3A_402 = tpu.memref_squeeze %dma_wait3A_401 : memref<1x1x16384xf32, #tpu.memory_space<hbm>> -> memref<16384xf32, #tpu.memory_space<hbm>>
    tpu.wait_dma2 semaphore(%arg7 : memref<!tpu.dma_semaphore, #tpu.memory_space<semaphore_mem>>) src(%arg5 : memref<16384xf32, #tpu.memory_space<vmem>>) dst(%dma_wait3A_402 : memref<16384xf32, #tpu.memory_space<hbm>>)
    %dma_wait3A_403 = arith.constant 1 : i32
    %dma_wait3A_404 = arith.constant 0 : i32
    %dma_wait3A_405 = tpu.memref_slice %arg3[%dma_wait3A_403, %add3A_4, %dma_wait3A_404] : memref<26x64x16384xf32, #tpu.memory_space<hbm>> -> memref<1x1x16384xf32, #tpu.memory_space<hbm>>
    %dma_wait3A_406 = tpu.memref_squeeze %dma_wait3A_405 : memref<1x1x16384xf32, #tpu.memory_space<hbm>> -> memref<16384xf32, #tpu.memory_space<hbm>>
    %dma_wait3A_407 = arith.constant 0 : i32
    %dma_wait3A_408 = tpu.memref_slice %arg3[%dma_wait3A_403, %add3A_4, %dma_wait3A_407] : memref<26x64x16384xf32, #tpu.memory_space<hbm>> -> memref<1x1x16384xf32, #tpu.memory_space<hbm>>
    %dma_wait3A_409 = tpu.memref_squeeze %dma_wait3A_408 : memref<1x1x16384xf32, #tpu.memory_space<hbm>> -> memref<16384xf32, #tpu.memory_space<hbm>>
    tpu.wait_dma2 semaphore(%arg7 : memref<!tpu.dma_semaphore, #tpu.memory_space<semaphore_mem>>) src(%arg5 : memref<16384xf32, #tpu.memory_space<vmem>>) dst(%dma_wait3A_409 : memref<16384xf32, #tpu.memory_space<hbm>>)
    %dma_wait3A_410 = arith.constant 2 : i32
    %dma_wait3A_411 = arith.constant 0 : i32
    %dma_wait3A_412 = tpu.memref_slice %arg3[%dma_wait3A_410, %add3A_4, %dma_wait3A_411] : memref<26x64x16384xf32, #tpu.memory_space<hbm>> -> memref<1x1x16384xf32, #tpu.memory_space<hbm>>
    %dma_wait3A_413 = tpu.memref_squeeze %dma_wait3A_412 : memref<1x1x16384xf32, #tpu.memory_space<hbm>> -> memref<16384xf32, #tpu.memory_space<hbm>>
    %dma_wait3A_414 = arith.constant 0 : i32
    %dma_wait3A_415 = tpu.memref_slice %arg3[%dma_wait3A_410, %add3A_4, %dma_wait3A_414] : memref<26x64x16384xf32, #tpu.memory_space<hbm>> -> memref<1x1x16384xf32, #tpu.memory_space<hbm>>
    %dma_wait3A_416 = tpu.memref_squeeze %dma_wait3A_415 : memref<1x1x16384xf32, #tpu.memory_space<hbm>> -> memref<16384xf32, #tpu.memory_space<hbm>>
    tpu.wait_dma2 semaphore(%arg7 : memref<!tpu.dma_semaphore, #tpu.memory_space<semaphore_mem>>) src(%arg5 : memref<16384xf32, #tpu.memory_space<vmem>>) dst(%dma_wait3A_416 : memref<16384xf32, #tpu.memory_space<hbm>>)
    %dma_wait3A_417 = arith.constant 3 : i32
    %dma_wait3A_418 = arith.constant 0 : i32
    %dma_wait3A_419 = tpu.memref_slice %arg3[%dma_wait3A_417, %add3A_4, %dma_wait3A_418] : memref<26x64x16384xf32, #tpu.memory_space<hbm>> -> memref<1x1x16384xf32, #tpu.memory_space<hbm>>
    %dma_wait3A_420 = tpu.memref_squeeze %dma_wait3A_419 : memref<1x1x16384xf32, #tpu.memory_space<hbm>> -> memref<16384xf32, #tpu.memory_space<hbm>>
    %dma_wait3A_421 = arith.constant 0 : i32
    %dma_wait3A_422 = tpu.memref_slice %arg3[%dma_wait3A_417, %add3A_4, %dma_wait3A_421] : memref<26x64x16384xf32, #tpu.memory_space<hbm>> -> memref<1x1x16384xf32, #tpu.memory_space<hbm>>
    %dma_wait3A_423 = tpu.memref_squeeze %dma_wait3A_422 : memref<1x1x16384xf32, #tpu.memory_space<hbm>> -> memref<16384xf32, #tpu.memory_space<hbm>>
    tpu.wait_dma2 semaphore(%arg7 : memref<!tpu.dma_semaphore, #tpu.memory_space<semaphore_mem>>) src(%arg5 : memref<16384xf32, #tpu.memory_space<vmem>>) dst(%dma_wait3A_423 : memref<16384xf32, #tpu.memory_space<hbm>>)
    %dma_wait3A_424 = arith.constant 4 : i32
    %dma_wait3A_425 = arith.constant 0 : i32
    %dma_wait3A_426 = tpu.memref_slice %arg3[%dma_wait3A_424, %add3A_4, %dma_wait3A_425] : memref<26x64x16384xf32, #tpu.memory_space<hbm>> -> memref<1x1x16384xf32, #tpu.memory_space<hbm>>
    %dma_wait3A_427 = tpu.memref_squeeze %dma_wait3A_426 : memref<1x1x16384xf32, #tpu.memory_space<hbm>> -> memref<16384xf32, #tpu.memory_space<hbm>>
    %dma_wait3A_428 = arith.constant 0 : i32
    %dma_wait3A_429 = tpu.memref_slice %arg3[%dma_wait3A_424, %add3A_4, %dma_wait3A_428] : memref<26x64x16384xf32, #tpu.memory_space<hbm>> -> memref<1x1x16384xf32, #tpu.memory_space<hbm>>
    %dma_wait3A_430 = tpu.memref_squeeze %dma_wait3A_429 : memref<1x1x16384xf32, #tpu.memory_space<hbm>> -> memref<16384xf32, #tpu.memory_space<hbm>>
    tpu.wait_dma2 semaphore(%arg7 : memref<!tpu.dma_semaphore, #tpu.memory_space<semaphore_mem>>) src(%arg5 : memref<16384xf32, #tpu.memory_space<vmem>>) dst(%dma_wait3A_430 : memref<16384xf32, #tpu.memory_space<hbm>>)
    %dma_wait3A_431 = arith.constant 5 : i32
    %dma_wait3A_432 = arith.constant 0 : i32
    %dma_wait3A_433 = tpu.memref_slice %arg3[%dma_wait3A_431, %add3A_4, %dma_wait3A_432] : memref<26x64x16384xf32, #tpu.memory_space<hbm>> -> memref<1x1x16384xf32, #tpu.memory_space<hbm>>
    %dma_wait3A_434 = tpu.memref_squeeze %dma_wait3A_433 : memref<1x1x16384xf32, #tpu.memory_space<hbm>> -> memref<16384xf32, #tpu.memory_space<hbm>>
    %dma_wait3A_435 = arith.constant 0 : i32
    %dma_wait3A_436 = tpu.memref_slice %arg3[%dma_wait3A_431, %add3A_4, %dma_wait3A_435] : memref<26x64x16384xf32, #tpu.memory_space<hbm>> -> memref<1x1x16384xf32, #tpu.memory_space<hbm>>
    %dma_wait3A_437 = tpu.memref_squeeze %dma_wait3A_436 : memref<1x1x16384xf32, #tpu.memory_space<hbm>> -> memref<16384xf32, #tpu.memory_space<hbm>>
    tpu.wait_dma2 semaphore(%arg7 : memref<!tpu.dma_semaphore, #tpu.memory_space<semaphore_mem>>) src(%arg5 : memref<16384xf32, #tpu.memory_space<vmem>>) dst(%dma_wait3A_437 : memref<16384xf32, #tpu.memory_space<hbm>>)
    %dma_wait3A_438 = arith.constant 6 : i32
    %dma_wait3A_439 = arith.constant 0 : i32
    %dma_wait3A_440 = tpu.memref_slice %arg3[%dma_wait3A_438, %add3A_4, %dma_wait3A_439] : memref<26x64x16384xf32, #tpu.memory_space<hbm>> -> memref<1x1x16384xf32, #tpu.memory_space<hbm>>
    %dma_wait3A_441 = tpu.memref_squeeze %dma_wait3A_440 : memref<1x1x16384xf32, #tpu.memory_space<hbm>> -> memref<16384xf32, #tpu.memory_space<hbm>>
    %dma_wait3A_442 = arith.constant 0 : i32
    %dma_wait3A_443 = tpu.memref_slice %arg3[%dma_wait3A_438, %add3A_4, %dma_wait3A_442] : memref<26x64x16384xf32, #tpu.memory_space<hbm>> -> memref<1x1x16384xf32, #tpu.memory_space<hbm>>
    %dma_wait3A_444 = tpu.memref_squeeze %dma_wait3A_443 : memref<1x1x16384xf32, #tpu.memory_space<hbm>> -> memref<16384xf32, #tpu.memory_space<hbm>>
    tpu.wait_dma2 semaphore(%arg7 : memref<!tpu.dma_semaphore, #tpu.memory_space<semaphore_mem>>) src(%arg5 : memref<16384xf32, #tpu.memory_space<vmem>>) dst(%dma_wait3A_444 : memref<16384xf32, #tpu.memory_space<hbm>>)
    %dma_wait3A_445 = arith.constant 7 : i32
    %dma_wait3A_446 = arith.constant 0 : i32
    %dma_wait3A_447 = tpu.memref_slice %arg3[%dma_wait3A_445, %add3A_4, %dma_wait3A_446] : memref<26x64x16384xf32, #tpu.memory_space<hbm>> -> memref<1x1x16384xf32, #tpu.memory_space<hbm>>
    %dma_wait3A_448 = tpu.memref_squeeze %dma_wait3A_447 : memref<1x1x16384xf32, #tpu.memory_space<hbm>> -> memref<16384xf32, #tpu.memory_space<hbm>>
    %dma_wait3A_449 = arith.constant 0 : i32
    %dma_wait3A_450 = tpu.memref_slice %arg3[%dma_wait3A_445, %add3A_4, %dma_wait3A_449] : memref<26x64x16384xf32, #tpu.memory_space<hbm>> -> memref<1x1x16384xf32, #tpu.memory_space<hbm>>
    %dma_wait3A_451 = tpu.memref_squeeze %dma_wait3A_450 : memref<1x1x16384xf32, #tpu.memory_space<hbm>> -> memref<16384xf32, #tpu.memory_space<hbm>>
    tpu.wait_dma2 semaphore(%arg7 : memref<!tpu.dma_semaphore, #tpu.memory_space<semaphore_mem>>) src(%arg5 : memref<16384xf32, #tpu.memory_space<vmem>>) dst(%dma_wait3A_451 : memref<16384xf32, #tpu.memory_space<hbm>>)
    %dma_wait3A_452 = arith.constant 8 : i32
    %dma_wait3A_453 = arith.constant 0 : i32
    %dma_wait3A_454 = tpu.memref_slice %arg3[%dma_wait3A_452, %add3A_4, %dma_wait3A_453] : memref<26x64x16384xf32, #tpu.memory_space<hbm>> -> memref<1x1x16384xf32, #tpu.memory_space<hbm>>
    %dma_wait3A_455 = tpu.memref_squeeze %dma_wait3A_454 : memref<1x1x16384xf32, #tpu.memory_space<hbm>> -> memref<16384xf32, #tpu.memory_space<hbm>>
    %dma_wait3A_456 = arith.constant 0 : i32
    %dma_wait3A_457 = tpu.memref_slice %arg3[%dma_wait3A_452, %add3A_4, %dma_wait3A_456] : memref<26x64x16384xf32, #tpu.memory_space<hbm>> -> memref<1x1x16384xf32, #tpu.memory_space<hbm>>
    %dma_wait3A_458 = tpu.memref_squeeze %dma_wait3A_457 : memref<1x1x16384xf32, #tpu.memory_space<hbm>> -> memref<16384xf32, #tpu.memory_space<hbm>>
    tpu.wait_dma2 semaphore(%arg7 : memref<!tpu.dma_semaphore, #tpu.memory_space<semaphore_mem>>) src(%arg5 : memref<16384xf32, #tpu.memory_space<vmem>>) dst(%dma_wait3A_458 : memref<16384xf32, #tpu.memory_space<hbm>>)
    %dma_wait3A_459 = arith.constant 9 : i32
    %dma_wait3A_460 = arith.constant 0 : i32
    %dma_wait3A_461 = tpu.memref_slice %arg3[%dma_wait3A_459, %add3A_4, %dma_wait3A_460] : memref<26x64x16384xf32, #tpu.memory_space<hbm>> -> memref<1x1x16384xf32, #tpu.memory_space<hbm>>
    %dma_wait3A_462 = tpu.memref_squeeze %dma_wait3A_461 : memref<1x1x16384xf32, #tpu.memory_space<hbm>> -> memref<16384xf32, #tpu.memory_space<hbm>>
    %dma_wait3A_463 = arith.constant 0 : i32
    %dma_wait3A_464 = tpu.memref_slice %arg3[%dma_wait3A_459, %add3A_4, %dma_wait3A_463] : memref<26x64x16384xf32, #tpu.memory_space<hbm>> -> memref<1x1x16384xf32, #tpu.memory_space<hbm>>
    %dma_wait3A_465 = tpu.memref_squeeze %dma_wait3A_464 : memref<1x1x16384xf32, #tpu.memory_space<hbm>> -> memref<16384xf32, #tpu.memory_space<hbm>>
    tpu.wait_dma2 semaphore(%arg7 : memref<!tpu.dma_semaphore, #tpu.memory_space<semaphore_mem>>) src(%arg5 : memref<16384xf32, #tpu.memory_space<vmem>>) dst(%dma_wait3A_465 : memref<16384xf32, #tpu.memory_space<hbm>>)
    %dma_wait3A_466 = arith.constant 10 : i32
    %dma_wait3A_467 = arith.constant 0 : i32
    %dma_wait3A_468 = tpu.memref_slice %arg3[%dma_wait3A_466, %add3A_4, %dma_wait3A_467] : memref<26x64x16384xf32, #tpu.memory_space<hbm>> -> memref<1x1x16384xf32, #tpu.memory_space<hbm>>
    %dma_wait3A_469 = tpu.memref_squeeze %dma_wait3A_468 : memref<1x1x16384xf32, #tpu.memory_space<hbm>> -> memref<16384xf32, #tpu.memory_space<hbm>>
    %dma_wait3A_470 = arith.constant 0 : i32
    %dma_wait3A_471 = tpu.memref_slice %arg3[%dma_wait3A_466, %add3A_4, %dma_wait3A_470] : memref<26x64x16384xf32, #tpu.memory_space<hbm>> -> memref<1x1x16384xf32, #tpu.memory_space<hbm>>
    %dma_wait3A_472 = tpu.memref_squeeze %dma_wait3A_471 : memref<1x1x16384xf32, #tpu.memory_space<hbm>> -> memref<16384xf32, #tpu.memory_space<hbm>>
    tpu.wait_dma2 semaphore(%arg7 : memref<!tpu.dma_semaphore, #tpu.memory_space<semaphore_mem>>) src(%arg5 : memref<16384xf32, #tpu.memory_space<vmem>>) dst(%dma_wait3A_472 : memref<16384xf32, #tpu.memory_space<hbm>>)
    %dma_wait3A_473 = arith.constant 11 : i32
    %dma_wait3A_474 = arith.constant 0 : i32
    %dma_wait3A_475 = tpu.memref_slice %arg3[%dma_wait3A_473, %add3A_4, %dma_wait3A_474] : memref<26x64x16384xf32, #tpu.memory_space<hbm>> -> memref<1x1x16384xf32, #tpu.memory_space<hbm>>
    %dma_wait3A_476 = tpu.memref_squeeze %dma_wait3A_475 : memref<1x1x16384xf32, #tpu.memory_space<hbm>> -> memref<16384xf32, #tpu.memory_space<hbm>>
    %dma_wait3A_477 = arith.constant 0 : i32
    %dma_wait3A_478 = tpu.memref_slice %arg3[%dma_wait3A_473, %add3A_4, %dma_wait3A_477] : memref<26x64x16384xf32, #tpu.memory_space<hbm>> -> memref<1x1x16384xf32, #tpu.memory_space<hbm>>
    %dma_wait3A_479 = tpu.memref_squeeze %dma_wait3A_478 : memref<1x1x16384xf32, #tpu.memory_space<hbm>> -> memref<16384xf32, #tpu.memory_space<hbm>>
    tpu.wait_dma2 semaphore(%arg7 : memref<!tpu.dma_semaphore, #tpu.memory_space<semaphore_mem>>) src(%arg5 : memref<16384xf32, #tpu.memory_space<vmem>>) dst(%dma_wait3A_479 : memref<16384xf32, #tpu.memory_space<hbm>>)
    %dma_wait3A_480 = arith.constant 12 : i32
    %dma_wait3A_481 = arith.constant 0 : i32
    %dma_wait3A_482 = tpu.memref_slice %arg3[%dma_wait3A_480, %add3A_4, %dma_wait3A_481] : memref<26x64x16384xf32, #tpu.memory_space<hbm>> -> memref<1x1x16384xf32, #tpu.memory_space<hbm>>
    %dma_wait3A_483 = tpu.memref_squeeze %dma_wait3A_482 : memref<1x1x16384xf32, #tpu.memory_space<hbm>> -> memref<16384xf32, #tpu.memory_space<hbm>>
    %dma_wait3A_484 = arith.constant 0 : i32
    %dma_wait3A_485 = tpu.memref_slice %arg3[%dma_wait3A_480, %add3A_4, %dma_wait3A_484] : memref<26x64x16384xf32, #tpu.memory_space<hbm>> -> memref<1x1x16384xf32, #tpu.memory_space<hbm>>
    %dma_wait3A_486 = tpu.memref_squeeze %dma_wait3A_485 : memref<1x1x16384xf32, #tpu.memory_space<hbm>> -> memref<16384xf32, #tpu.memory_space<hbm>>
    tpu.wait_dma2 semaphore(%arg7 : memref<!tpu.dma_semaphore, #tpu.memory_space<semaphore_mem>>) src(%arg5 : memref<16384xf32, #tpu.memory_space<vmem>>) dst(%dma_wait3A_486 : memref<16384xf32, #tpu.memory_space<hbm>>)
    %dma_wait3A_487 = arith.constant 13 : i32
    %dma_wait3A_488 = arith.constant 0 : i32
    %dma_wait3A_489 = tpu.memref_slice %arg3[%dma_wait3A_487, %add3A_4, %dma_wait3A_488] : memref<26x64x16384xf32, #tpu.memory_space<hbm>> -> memref<1x1x16384xf32, #tpu.memory_space<hbm>>
    %dma_wait3A_490 = tpu.memref_squeeze %dma_wait3A_489 : memref<1x1x16384xf32, #tpu.memory_space<hbm>> -> memref<16384xf32, #tpu.memory_space<hbm>>
    %dma_wait3A_491 = arith.constant 0 : i32
    %dma_wait3A_492 = tpu.memref_slice %arg3[%dma_wait3A_487, %add3A_4, %dma_wait3A_491] : memref<26x64x16384xf32, #tpu.memory_space<hbm>> -> memref<1x1x16384xf32, #tpu.memory_space<hbm>>
    %dma_wait3A_493 = tpu.memref_squeeze %dma_wait3A_492 : memref<1x1x16384xf32, #tpu.memory_space<hbm>> -> memref<16384xf32, #tpu.memory_space<hbm>>
    tpu.wait_dma2 semaphore(%arg7 : memref<!tpu.dma_semaphore, #tpu.memory_space<semaphore_mem>>) src(%arg5 : memref<16384xf32, #tpu.memory_space<vmem>>) dst(%dma_wait3A_493 : memref<16384xf32, #tpu.memory_space<hbm>>)
    %dma_wait3A_494 = arith.constant 14 : i32
    %dma_wait3A_495 = arith.constant 0 : i32
    %dma_wait3A_496 = tpu.memref_slice %arg3[%dma_wait3A_494, %add3A_4, %dma_wait3A_495] : memref<26x64x16384xf32, #tpu.memory_space<hbm>> -> memref<1x1x16384xf32, #tpu.memory_space<hbm>>
    %dma_wait3A_497 = tpu.memref_squeeze %dma_wait3A_496 : memref<1x1x16384xf32, #tpu.memory_space<hbm>> -> memref<16384xf32, #tpu.memory_space<hbm>>
    %dma_wait3A_498 = arith.constant 0 : i32
    %dma_wait3A_499 = tpu.memref_slice %arg3[%dma_wait3A_494, %add3A_4, %dma_wait3A_498] : memref<26x64x16384xf32, #tpu.memory_space<hbm>> -> memref<1x1x16384xf32, #tpu.memory_space<hbm>>
    %dma_wait3A_500 = tpu.memref_squeeze %dma_wait3A_499 : memref<1x1x16384xf32, #tpu.memory_space<hbm>> -> memref<16384xf32, #tpu.memory_space<hbm>>
    tpu.wait_dma2 semaphore(%arg7 : memref<!tpu.dma_semaphore, #tpu.memory_space<semaphore_mem>>) src(%arg5 : memref<16384xf32, #tpu.memory_space<vmem>>) dst(%dma_wait3A_500 : memref<16384xf32, #tpu.memory_space<hbm>>)
    %dma_wait3A_501 = arith.constant 15 : i32
    %dma_wait3A_502 = arith.constant 0 : i32
    %dma_wait3A_503 = tpu.memref_slice %arg3[%dma_wait3A_501, %add3A_4, %dma_wait3A_502] : memref<26x64x16384xf32, #tpu.memory_space<hbm>> -> memref<1x1x16384xf32, #tpu.memory_space<hbm>>
    %dma_wait3A_504 = tpu.memref_squeeze %dma_wait3A_503 : memref<1x1x16384xf32, #tpu.memory_space<hbm>> -> memref<16384xf32, #tpu.memory_space<hbm>>
    %dma_wait3A_505 = arith.constant 0 : i32
    %dma_wait3A_506 = tpu.memref_slice %arg3[%dma_wait3A_501, %add3A_4, %dma_wait3A_505] : memref<26x64x16384xf32, #tpu.memory_space<hbm>> -> memref<1x1x16384xf32, #tpu.memory_space<hbm>>
    %dma_wait3A_507 = tpu.memref_squeeze %dma_wait3A_506 : memref<1x1x16384xf32, #tpu.memory_space<hbm>> -> memref<16384xf32, #tpu.memory_space<hbm>>
    tpu.wait_dma2 semaphore(%arg7 : memref<!tpu.dma_semaphore, #tpu.memory_space<semaphore_mem>>) src(%arg5 : memref<16384xf32, #tpu.memory_space<vmem>>) dst(%dma_wait3A_507 : memref<16384xf32, #tpu.memory_space<hbm>>)
    %dma_wait3A_508 = arith.constant 16 : i32
    %dma_wait3A_509 = arith.constant 0 : i32
    %dma_wait3A_510 = tpu.memref_slice %arg3[%dma_wait3A_508, %add3A_4, %dma_wait3A_509] : memref<26x64x16384xf32, #tpu.memory_space<hbm>> -> memref<1x1x16384xf32, #tpu.memory_space<hbm>>
    %dma_wait3A_511 = tpu.memref_squeeze %dma_wait3A_510 : memref<1x1x16384xf32, #tpu.memory_space<hbm>> -> memref<16384xf32, #tpu.memory_space<hbm>>
    %dma_wait3A_512 = arith.constant 0 : i32
    %dma_wait3A_513 = tpu.memref_slice %arg3[%dma_wait3A_508, %add3A_4, %dma_wait3A_512] : memref<26x64x16384xf32, #tpu.memory_space<hbm>> -> memref<1x1x16384xf32, #tpu.memory_space<hbm>>
    %dma_wait3A_514 = tpu.memref_squeeze %dma_wait3A_513 : memref<1x1x16384xf32, #tpu.memory_space<hbm>> -> memref<16384xf32, #tpu.memory_space<hbm>>
    tpu.wait_dma2 semaphore(%arg7 : memref<!tpu.dma_semaphore, #tpu.memory_space<semaphore_mem>>) src(%arg5 : memref<16384xf32, #tpu.memory_space<vmem>>) dst(%dma_wait3A_514 : memref<16384xf32, #tpu.memory_space<hbm>>)
    %dma_wait3A_515 = arith.constant 17 : i32
    %dma_wait3A_516 = arith.constant 0 : i32
    %dma_wait3A_517 = tpu.memref_slice %arg3[%dma_wait3A_515, %add3A_4, %dma_wait3A_516] : memref<26x64x16384xf32, #tpu.memory_space<hbm>> -> memref<1x1x16384xf32, #tpu.memory_space<hbm>>
    %dma_wait3A_518 = tpu.memref_squeeze %dma_wait3A_517 : memref<1x1x16384xf32, #tpu.memory_space<hbm>> -> memref<16384xf32, #tpu.memory_space<hbm>>
    %dma_wait3A_519 = arith.constant 0 : i32
    %dma_wait3A_520 = tpu.memref_slice %arg3[%dma_wait3A_515, %add3A_4, %dma_wait3A_519] : memref<26x64x16384xf32, #tpu.memory_space<hbm>> -> memref<1x1x16384xf32, #tpu.memory_space<hbm>>
    %dma_wait3A_521 = tpu.memref_squeeze %dma_wait3A_520 : memref<1x1x16384xf32, #tpu.memory_space<hbm>> -> memref<16384xf32, #tpu.memory_space<hbm>>
    tpu.wait_dma2 semaphore(%arg7 : memref<!tpu.dma_semaphore, #tpu.memory_space<semaphore_mem>>) src(%arg5 : memref<16384xf32, #tpu.memory_space<vmem>>) dst(%dma_wait3A_521 : memref<16384xf32, #tpu.memory_space<hbm>>)
    %dma_wait3A_522 = arith.constant 18 : i32
    %dma_wait3A_523 = arith.constant 0 : i32
    %dma_wait3A_524 = tpu.memref_slice %arg3[%dma_wait3A_522, %add3A_4, %dma_wait3A_523] : memref<26x64x16384xf32, #tpu.memory_space<hbm>> -> memref<1x1x16384xf32, #tpu.memory_space<hbm>>
    %dma_wait3A_525 = tpu.memref_squeeze %dma_wait3A_524 : memref<1x1x16384xf32, #tpu.memory_space<hbm>> -> memref<16384xf32, #tpu.memory_space<hbm>>
    %dma_wait3A_526 = arith.constant 0 : i32
    %dma_wait3A_527 = tpu.memref_slice %arg3[%dma_wait3A_522, %add3A_4, %dma_wait3A_526] : memref<26x64x16384xf32, #tpu.memory_space<hbm>> -> memref<1x1x16384xf32, #tpu.memory_space<hbm>>
    %dma_wait3A_528 = tpu.memref_squeeze %dma_wait3A_527 : memref<1x1x16384xf32, #tpu.memory_space<hbm>> -> memref<16384xf32, #tpu.memory_space<hbm>>
    tpu.wait_dma2 semaphore(%arg7 : memref<!tpu.dma_semaphore, #tpu.memory_space<semaphore_mem>>) src(%arg5 : memref<16384xf32, #tpu.memory_space<vmem>>) dst(%dma_wait3A_528 : memref<16384xf32, #tpu.memory_space<hbm>>)
    %dma_wait3A_529 = arith.constant 19 : i32
    %dma_wait3A_530 = arith.constant 0 : i32
    %dma_wait3A_531 = tpu.memref_slice %arg3[%dma_wait3A_529, %add3A_4, %dma_wait3A_530] : memref<26x64x16384xf32, #tpu.memory_space<hbm>> -> memref<1x1x16384xf32, #tpu.memory_space<hbm>>
    %dma_wait3A_532 = tpu.memref_squeeze %dma_wait3A_531 : memref<1x1x16384xf32, #tpu.memory_space<hbm>> -> memref<16384xf32, #tpu.memory_space<hbm>>
    %dma_wait3A_533 = arith.constant 0 : i32
    %dma_wait3A_534 = tpu.memref_slice %arg3[%dma_wait3A_529, %add3A_4, %dma_wait3A_533] : memref<26x64x16384xf32, #tpu.memory_space<hbm>> -> memref<1x1x16384xf32, #tpu.memory_space<hbm>>
    %dma_wait3A_535 = tpu.memref_squeeze %dma_wait3A_534 : memref<1x1x16384xf32, #tpu.memory_space<hbm>> -> memref<16384xf32, #tpu.memory_space<hbm>>
    tpu.wait_dma2 semaphore(%arg7 : memref<!tpu.dma_semaphore, #tpu.memory_space<semaphore_mem>>) src(%arg5 : memref<16384xf32, #tpu.memory_space<vmem>>) dst(%dma_wait3A_535 : memref<16384xf32, #tpu.memory_space<hbm>>)
    %dma_wait3A_536 = arith.constant 20 : i32
    %dma_wait3A_537 = arith.constant 0 : i32
    %dma_wait3A_538 = tpu.memref_slice %arg3[%dma_wait3A_536, %add3A_4, %dma_wait3A_537] : memref<26x64x16384xf32, #tpu.memory_space<hbm>> -> memref<1x1x16384xf32, #tpu.memory_space<hbm>>
    %dma_wait3A_539 = tpu.memref_squeeze %dma_wait3A_538 : memref<1x1x16384xf32, #tpu.memory_space<hbm>> -> memref<16384xf32, #tpu.memory_space<hbm>>
    %dma_wait3A_540 = arith.constant 0 : i32
    %dma_wait3A_541 = tpu.memref_slice %arg3[%dma_wait3A_536, %add3A_4, %dma_wait3A_540] : memref<26x64x16384xf32, #tpu.memory_space<hbm>> -> memref<1x1x16384xf32, #tpu.memory_space<hbm>>
    %dma_wait3A_542 = tpu.memref_squeeze %dma_wait3A_541 : memref<1x1x16384xf32, #tpu.memory_space<hbm>> -> memref<16384xf32, #tpu.memory_space<hbm>>
    tpu.wait_dma2 semaphore(%arg7 : memref<!tpu.dma_semaphore, #tpu.memory_space<semaphore_mem>>) src(%arg5 : memref<16384xf32, #tpu.memory_space<vmem>>) dst(%dma_wait3A_542 : memref<16384xf32, #tpu.memory_space<hbm>>)
    %dma_wait3A_543 = arith.constant 21 : i32
    %dma_wait3A_544 = arith.constant 0 : i32
    %dma_wait3A_545 = tpu.memref_slice %arg3[%dma_wait3A_543, %add3A_4, %dma_wait3A_544] : memref<26x64x16384xf32, #tpu.memory_space<hbm>> -> memref<1x1x16384xf32, #tpu.memory_space<hbm>>
    %dma_wait3A_546 = tpu.memref_squeeze %dma_wait3A_545 : memref<1x1x16384xf32, #tpu.memory_space<hbm>> -> memref<16384xf32, #tpu.memory_space<hbm>>
    %dma_wait3A_547 = arith.constant 0 : i32
    %dma_wait3A_548 = tpu.memref_slice %arg3[%dma_wait3A_543, %add3A_4, %dma_wait3A_547] : memref<26x64x16384xf32, #tpu.memory_space<hbm>> -> memref<1x1x16384xf32, #tpu.memory_space<hbm>>
    %dma_wait3A_549 = tpu.memref_squeeze %dma_wait3A_548 : memref<1x1x16384xf32, #tpu.memory_space<hbm>> -> memref<16384xf32, #tpu.memory_space<hbm>>
    tpu.wait_dma2 semaphore(%arg7 : memref<!tpu.dma_semaphore, #tpu.memory_space<semaphore_mem>>) src(%arg5 : memref<16384xf32, #tpu.memory_space<vmem>>) dst(%dma_wait3A_549 : memref<16384xf32, #tpu.memory_space<hbm>>)
    %dma_wait3A_550 = arith.constant 22 : i32
    %dma_wait3A_551 = arith.constant 0 : i32
    %dma_wait3A_552 = tpu.memref_slice %arg3[%dma_wait3A_550, %add3A_4, %dma_wait3A_551] : memref<26x64x16384xf32, #tpu.memory_space<hbm>> -> memref<1x1x16384xf32, #tpu.memory_space<hbm>>
    %dma_wait3A_553 = tpu.memref_squeeze %dma_wait3A_552 : memref<1x1x16384xf32, #tpu.memory_space<hbm>> -> memref<16384xf32, #tpu.memory_space<hbm>>
    %dma_wait3A_554 = arith.constant 0 : i32
    %dma_wait3A_555 = tpu.memref_slice %arg3[%dma_wait3A_550, %add3A_4, %dma_wait3A_554] : memref<26x64x16384xf32, #tpu.memory_space<hbm>> -> memref<1x1x16384xf32, #tpu.memory_space<hbm>>
    %dma_wait3A_556 = tpu.memref_squeeze %dma_wait3A_555 : memref<1x1x16384xf32, #tpu.memory_space<hbm>> -> memref<16384xf32, #tpu.memory_space<hbm>>
    tpu.wait_dma2 semaphore(%arg7 : memref<!tpu.dma_semaphore, #tpu.memory_space<semaphore_mem>>) src(%arg5 : memref<16384xf32, #tpu.memory_space<vmem>>) dst(%dma_wait3A_556 : memref<16384xf32, #tpu.memory_space<hbm>>)
    %dma_wait3A_557 = arith.constant 23 : i32
    %dma_wait3A_558 = arith.constant 0 : i32
    %dma_wait3A_559 = tpu.memref_slice %arg3[%dma_wait3A_557, %add3A_4, %dma_wait3A_558] : memref<26x64x16384xf32, #tpu.memory_space<hbm>> -> memref<1x1x16384xf32, #tpu.memory_space<hbm>>
    %dma_wait3A_560 = tpu.memref_squeeze %dma_wait3A_559 : memref<1x1x16384xf32, #tpu.memory_space<hbm>> -> memref<16384xf32, #tpu.memory_space<hbm>>
    %dma_wait3A_561 = arith.constant 0 : i32
    %dma_wait3A_562 = tpu.memref_slice %arg3[%dma_wait3A_557, %add3A_4, %dma_wait3A_561] : memref<26x64x16384xf32, #tpu.memory_space<hbm>> -> memref<1x1x16384xf32, #tpu.memory_space<hbm>>
    %dma_wait3A_563 = tpu.memref_squeeze %dma_wait3A_562 : memref<1x1x16384xf32, #tpu.memory_space<hbm>> -> memref<16384xf32, #tpu.memory_space<hbm>>
    tpu.wait_dma2 semaphore(%arg7 : memref<!tpu.dma_semaphore, #tpu.memory_space<semaphore_mem>>) src(%arg5 : memref<16384xf32, #tpu.memory_space<vmem>>) dst(%dma_wait3A_563 : memref<16384xf32, #tpu.memory_space<hbm>>)
    %dma_wait3A_564 = arith.constant 24 : i32
    %dma_wait3A_565 = arith.constant 0 : i32
    %dma_wait3A_566 = tpu.memref_slice %arg3[%dma_wait3A_564, %add3A_4, %dma_wait3A_565] : memref<26x64x16384xf32, #tpu.memory_space<hbm>> -> memref<1x1x16384xf32, #tpu.memory_space<hbm>>
    %dma_wait3A_567 = tpu.memref_squeeze %dma_wait3A_566 : memref<1x1x16384xf32, #tpu.memory_space<hbm>> -> memref<16384xf32, #tpu.memory_space<hbm>>
    %dma_wait3A_568 = arith.constant 0 : i32
    %dma_wait3A_569 = tpu.memref_slice %arg3[%dma_wait3A_564, %add3A_4, %dma_wait3A_568] : memref<26x64x16384xf32, #tpu.memory_space<hbm>> -> memref<1x1x16384xf32, #tpu.memory_space<hbm>>
    %dma_wait3A_570 = tpu.memref_squeeze %dma_wait3A_569 : memref<1x1x16384xf32, #tpu.memory_space<hbm>> -> memref<16384xf32, #tpu.memory_space<hbm>>
    tpu.wait_dma2 semaphore(%arg7 : memref<!tpu.dma_semaphore, #tpu.memory_space<semaphore_mem>>) src(%arg5 : memref<16384xf32, #tpu.memory_space<vmem>>) dst(%dma_wait3A_570 : memref<16384xf32, #tpu.memory_space<hbm>>)
    %dma_wait3A_571 = arith.constant 25 : i32
    %dma_wait3A_572 = arith.constant 0 : i32
    %dma_wait3A_573 = tpu.memref_slice %arg3[%dma_wait3A_571, %add3A_4, %dma_wait3A_572] : memref<26x64x16384xf32, #tpu.memory_space<hbm>> -> memref<1x1x16384xf32, #tpu.memory_space<hbm>>
    %dma_wait3A_574 = tpu.memref_squeeze %dma_wait3A_573 : memref<1x1x16384xf32, #tpu.memory_space<hbm>> -> memref<16384xf32, #tpu.memory_space<hbm>>
    %dma_wait3A_575 = arith.constant 0 : i32
    %dma_wait3A_576 = tpu.memref_slice %arg3[%dma_wait3A_571, %add3A_4, %dma_wait3A_575] : memref<26x64x16384xf32, #tpu.memory_space<hbm>> -> memref<1x1x16384xf32, #tpu.memory_space<hbm>>
    %dma_wait3A_577 = tpu.memref_squeeze %dma_wait3A_576 : memref<1x1x16384xf32, #tpu.memory_space<hbm>> -> memref<16384xf32, #tpu.memory_space<hbm>>
    tpu.wait_dma2 semaphore(%arg7 : memref<!tpu.dma_semaphore, #tpu.memory_space<semaphore_mem>>) src(%arg5 : memref<16384xf32, #tpu.memory_space<vmem>>) dst(%dma_wait3A_577 : memref<16384xf32, #tpu.memory_space<hbm>>)
    %dma_wait3A_578 = arith.constant 0 : i32
    %dma_wait3A_579 = arith.constant 0 : i32
    %dma_wait3A_580 = tpu.memref_slice %arg3[%dma_wait3A_578, %add3A_199, %dma_wait3A_579] : memref<26x64x16384xf32, #tpu.memory_space<hbm>> -> memref<1x1x16384xf32, #tpu.memory_space<hbm>>
    %dma_wait3A_581 = tpu.memref_squeeze %dma_wait3A_580 : memref<1x1x16384xf32, #tpu.memory_space<hbm>> -> memref<16384xf32, #tpu.memory_space<hbm>>
    %dma_wait3A_582 = arith.constant 0 : i32
    %dma_wait3A_583 = tpu.memref_slice %arg3[%dma_wait3A_578, %add3A_199, %dma_wait3A_582] : memref<26x64x16384xf32, #tpu.memory_space<hbm>> -> memref<1x1x16384xf32, #tpu.memory_space<hbm>>
    %dma_wait3A_584 = tpu.memref_squeeze %dma_wait3A_583 : memref<1x1x16384xf32, #tpu.memory_space<hbm>> -> memref<16384xf32, #tpu.memory_space<hbm>>
    tpu.wait_dma2 semaphore(%arg7 : memref<!tpu.dma_semaphore, #tpu.memory_space<semaphore_mem>>) src(%arg6 : memref<16384xf32, #tpu.memory_space<vmem>>) dst(%dma_wait3A_584 : memref<16384xf32, #tpu.memory_space<hbm>>)
    %dma_wait3A_585 = arith.constant 1 : i32
    %dma_wait3A_586 = arith.constant 0 : i32
    %dma_wait3A_587 = tpu.memref_slice %arg3[%dma_wait3A_585, %add3A_199, %dma_wait3A_586] : memref<26x64x16384xf32, #tpu.memory_space<hbm>> -> memref<1x1x16384xf32, #tpu.memory_space<hbm>>
    %dma_wait3A_588 = tpu.memref_squeeze %dma_wait3A_587 : memref<1x1x16384xf32, #tpu.memory_space<hbm>> -> memref<16384xf32, #tpu.memory_space<hbm>>
    %dma_wait3A_589 = arith.constant 0 : i32
    %dma_wait3A_590 = tpu.memref_slice %arg3[%dma_wait3A_585, %add3A_199, %dma_wait3A_589] : memref<26x64x16384xf32, #tpu.memory_space<hbm>> -> memref<1x1x16384xf32, #tpu.memory_space<hbm>>
    %dma_wait3A_591 = tpu.memref_squeeze %dma_wait3A_590 : memref<1x1x16384xf32, #tpu.memory_space<hbm>> -> memref<16384xf32, #tpu.memory_space<hbm>>
    tpu.wait_dma2 semaphore(%arg7 : memref<!tpu.dma_semaphore, #tpu.memory_space<semaphore_mem>>) src(%arg6 : memref<16384xf32, #tpu.memory_space<vmem>>) dst(%dma_wait3A_591 : memref<16384xf32, #tpu.memory_space<hbm>>)
    %dma_wait3A_592 = arith.constant 2 : i32
    %dma_wait3A_593 = arith.constant 0 : i32
    %dma_wait3A_594 = tpu.memref_slice %arg3[%dma_wait3A_592, %add3A_199, %dma_wait3A_593] : memref<26x64x16384xf32, #tpu.memory_space<hbm>> -> memref<1x1x16384xf32, #tpu.memory_space<hbm>>
    %dma_wait3A_595 = tpu.memref_squeeze %dma_wait3A_594 : memref<1x1x16384xf32, #tpu.memory_space<hbm>> -> memref<16384xf32, #tpu.memory_space<hbm>>
    %dma_wait3A_596 = arith.constant 0 : i32
    %dma_wait3A_597 = tpu.memref_slice %arg3[%dma_wait3A_592, %add3A_199, %dma_wait3A_596] : memref<26x64x16384xf32, #tpu.memory_space<hbm>> -> memref<1x1x16384xf32, #tpu.memory_space<hbm>>
    %dma_wait3A_598 = tpu.memref_squeeze %dma_wait3A_597 : memref<1x1x16384xf32, #tpu.memory_space<hbm>> -> memref<16384xf32, #tpu.memory_space<hbm>>
    tpu.wait_dma2 semaphore(%arg7 : memref<!tpu.dma_semaphore, #tpu.memory_space<semaphore_mem>>) src(%arg6 : memref<16384xf32, #tpu.memory_space<vmem>>) dst(%dma_wait3A_598 : memref<16384xf32, #tpu.memory_space<hbm>>)
    %dma_wait3A_599 = arith.constant 3 : i32
    %dma_wait3A_600 = arith.constant 0 : i32
    %dma_wait3A_601 = tpu.memref_slice %arg3[%dma_wait3A_599, %add3A_199, %dma_wait3A_600] : memref<26x64x16384xf32, #tpu.memory_space<hbm>> -> memref<1x1x16384xf32, #tpu.memory_space<hbm>>
    %dma_wait3A_602 = tpu.memref_squeeze %dma_wait3A_601 : memref<1x1x16384xf32, #tpu.memory_space<hbm>> -> memref<16384xf32, #tpu.memory_space<hbm>>
    %dma_wait3A_603 = arith.constant 0 : i32
    %dma_wait3A_604 = tpu.memref_slice %arg3[%dma_wait3A_599, %add3A_199, %dma_wait3A_603] : memref<26x64x16384xf32, #tpu.memory_space<hbm>> -> memref<1x1x16384xf32, #tpu.memory_space<hbm>>
    %dma_wait3A_605 = tpu.memref_squeeze %dma_wait3A_604 : memref<1x1x16384xf32, #tpu.memory_space<hbm>> -> memref<16384xf32, #tpu.memory_space<hbm>>
    tpu.wait_dma2 semaphore(%arg7 : memref<!tpu.dma_semaphore, #tpu.memory_space<semaphore_mem>>) src(%arg6 : memref<16384xf32, #tpu.memory_space<vmem>>) dst(%dma_wait3A_605 : memref<16384xf32, #tpu.memory_space<hbm>>)
    %dma_wait3A_606 = arith.constant 4 : i32
    %dma_wait3A_607 = arith.constant 0 : i32
    %dma_wait3A_608 = tpu.memref_slice %arg3[%dma_wait3A_606, %add3A_199, %dma_wait3A_607] : memref<26x64x16384xf32, #tpu.memory_space<hbm>> -> memref<1x1x16384xf32, #tpu.memory_space<hbm>>
    %dma_wait3A_609 = tpu.memref_squeeze %dma_wait3A_608 : memref<1x1x16384xf32, #tpu.memory_space<hbm>> -> memref<16384xf32, #tpu.memory_space<hbm>>
    %dma_wait3A_610 = arith.constant 0 : i32
    %dma_wait3A_611 = tpu.memref_slice %arg3[%dma_wait3A_606, %add3A_199, %dma_wait3A_610] : memref<26x64x16384xf32, #tpu.memory_space<hbm>> -> memref<1x1x16384xf32, #tpu.memory_space<hbm>>
    %dma_wait3A_612 = tpu.memref_squeeze %dma_wait3A_611 : memref<1x1x16384xf32, #tpu.memory_space<hbm>> -> memref<16384xf32, #tpu.memory_space<hbm>>
    tpu.wait_dma2 semaphore(%arg7 : memref<!tpu.dma_semaphore, #tpu.memory_space<semaphore_mem>>) src(%arg6 : memref<16384xf32, #tpu.memory_space<vmem>>) dst(%dma_wait3A_612 : memref<16384xf32, #tpu.memory_space<hbm>>)
    %dma_wait3A_613 = arith.constant 5 : i32
    %dma_wait3A_614 = arith.constant 0 : i32
    %dma_wait3A_615 = tpu.memref_slice %arg3[%dma_wait3A_613, %add3A_199, %dma_wait3A_614] : memref<26x64x16384xf32, #tpu.memory_space<hbm>> -> memref<1x1x16384xf32, #tpu.memory_space<hbm>>
    %dma_wait3A_616 = tpu.memref_squeeze %dma_wait3A_615 : memref<1x1x16384xf32, #tpu.memory_space<hbm>> -> memref<16384xf32, #tpu.memory_space<hbm>>
    %dma_wait3A_617 = arith.constant 0 : i32
    %dma_wait3A_618 = tpu.memref_slice %arg3[%dma_wait3A_613, %add3A_199, %dma_wait3A_617] : memref<26x64x16384xf32, #tpu.memory_space<hbm>> -> memref<1x1x16384xf32, #tpu.memory_space<hbm>>
    %dma_wait3A_619 = tpu.memref_squeeze %dma_wait3A_618 : memref<1x1x16384xf32, #tpu.memory_space<hbm>> -> memref<16384xf32, #tpu.memory_space<hbm>>
    tpu.wait_dma2 semaphore(%arg7 : memref<!tpu.dma_semaphore, #tpu.memory_space<semaphore_mem>>) src(%arg6 : memref<16384xf32, #tpu.memory_space<vmem>>) dst(%dma_wait3A_619 : memref<16384xf32, #tpu.memory_space<hbm>>)
    %dma_wait3A_620 = arith.constant 6 : i32
    %dma_wait3A_621 = arith.constant 0 : i32
    %dma_wait3A_622 = tpu.memref_slice %arg3[%dma_wait3A_620, %add3A_199, %dma_wait3A_621] : memref<26x64x16384xf32, #tpu.memory_space<hbm>> -> memref<1x1x16384xf32, #tpu.memory_space<hbm>>
    %dma_wait3A_623 = tpu.memref_squeeze %dma_wait3A_622 : memref<1x1x16384xf32, #tpu.memory_space<hbm>> -> memref<16384xf32, #tpu.memory_space<hbm>>
    %dma_wait3A_624 = arith.constant 0 : i32
    %dma_wait3A_625 = tpu.memref_slice %arg3[%dma_wait3A_620, %add3A_199, %dma_wait3A_624] : memref<26x64x16384xf32, #tpu.memory_space<hbm>> -> memref<1x1x16384xf32, #tpu.memory_space<hbm>>
    %dma_wait3A_626 = tpu.memref_squeeze %dma_wait3A_625 : memref<1x1x16384xf32, #tpu.memory_space<hbm>> -> memref<16384xf32, #tpu.memory_space<hbm>>
    tpu.wait_dma2 semaphore(%arg7 : memref<!tpu.dma_semaphore, #tpu.memory_space<semaphore_mem>>) src(%arg6 : memref<16384xf32, #tpu.memory_space<vmem>>) dst(%dma_wait3A_626 : memref<16384xf32, #tpu.memory_space<hbm>>)
    %dma_wait3A_627 = arith.constant 7 : i32
    %dma_wait3A_628 = arith.constant 0 : i32
    %dma_wait3A_629 = tpu.memref_slice %arg3[%dma_wait3A_627, %add3A_199, %dma_wait3A_628] : memref<26x64x16384xf32, #tpu.memory_space<hbm>> -> memref<1x1x16384xf32, #tpu.memory_space<hbm>>
    %dma_wait3A_630 = tpu.memref_squeeze %dma_wait3A_629 : memref<1x1x16384xf32, #tpu.memory_space<hbm>> -> memref<16384xf32, #tpu.memory_space<hbm>>
    %dma_wait3A_631 = arith.constant 0 : i32
    %dma_wait3A_632 = tpu.memref_slice %arg3[%dma_wait3A_627, %add3A_199, %dma_wait3A_631] : memref<26x64x16384xf32, #tpu.memory_space<hbm>> -> memref<1x1x16384xf32, #tpu.memory_space<hbm>>
    %dma_wait3A_633 = tpu.memref_squeeze %dma_wait3A_632 : memref<1x1x16384xf32, #tpu.memory_space<hbm>> -> memref<16384xf32, #tpu.memory_space<hbm>>
    tpu.wait_dma2 semaphore(%arg7 : memref<!tpu.dma_semaphore, #tpu.memory_space<semaphore_mem>>) src(%arg6 : memref<16384xf32, #tpu.memory_space<vmem>>) dst(%dma_wait3A_633 : memref<16384xf32, #tpu.memory_space<hbm>>)
    %dma_wait3A_634 = arith.constant 8 : i32
    %dma_wait3A_635 = arith.constant 0 : i32
    %dma_wait3A_636 = tpu.memref_slice %arg3[%dma_wait3A_634, %add3A_199, %dma_wait3A_635] : memref<26x64x16384xf32, #tpu.memory_space<hbm>> -> memref<1x1x16384xf32, #tpu.memory_space<hbm>>
    %dma_wait3A_637 = tpu.memref_squeeze %dma_wait3A_636 : memref<1x1x16384xf32, #tpu.memory_space<hbm>> -> memref<16384xf32, #tpu.memory_space<hbm>>
    %dma_wait3A_638 = arith.constant 0 : i32
    %dma_wait3A_639 = tpu.memref_slice %arg3[%dma_wait3A_634, %add3A_199, %dma_wait3A_638] : memref<26x64x16384xf32, #tpu.memory_space<hbm>> -> memref<1x1x16384xf32, #tpu.memory_space<hbm>>
    %dma_wait3A_640 = tpu.memref_squeeze %dma_wait3A_639 : memref<1x1x16384xf32, #tpu.memory_space<hbm>> -> memref<16384xf32, #tpu.memory_space<hbm>>
    tpu.wait_dma2 semaphore(%arg7 : memref<!tpu.dma_semaphore, #tpu.memory_space<semaphore_mem>>) src(%arg6 : memref<16384xf32, #tpu.memory_space<vmem>>) dst(%dma_wait3A_640 : memref<16384xf32, #tpu.memory_space<hbm>>)
    %dma_wait3A_641 = arith.constant 9 : i32
    %dma_wait3A_642 = arith.constant 0 : i32
    %dma_wait3A_643 = tpu.memref_slice %arg3[%dma_wait3A_641, %add3A_199, %dma_wait3A_642] : memref<26x64x16384xf32, #tpu.memory_space<hbm>> -> memref<1x1x16384xf32, #tpu.memory_space<hbm>>
    %dma_wait3A_644 = tpu.memref_squeeze %dma_wait3A_643 : memref<1x1x16384xf32, #tpu.memory_space<hbm>> -> memref<16384xf32, #tpu.memory_space<hbm>>
    %dma_wait3A_645 = arith.constant 0 : i32
    %dma_wait3A_646 = tpu.memref_slice %arg3[%dma_wait3A_641, %add3A_199, %dma_wait3A_645] : memref<26x64x16384xf32, #tpu.memory_space<hbm>> -> memref<1x1x16384xf32, #tpu.memory_space<hbm>>
    %dma_wait3A_647 = tpu.memref_squeeze %dma_wait3A_646 : memref<1x1x16384xf32, #tpu.memory_space<hbm>> -> memref<16384xf32, #tpu.memory_space<hbm>>
    tpu.wait_dma2 semaphore(%arg7 : memref<!tpu.dma_semaphore, #tpu.memory_space<semaphore_mem>>) src(%arg6 : memref<16384xf32, #tpu.memory_space<vmem>>) dst(%dma_wait3A_647 : memref<16384xf32, #tpu.memory_space<hbm>>)
    %dma_wait3A_648 = arith.constant 10 : i32
    %dma_wait3A_649 = arith.constant 0 : i32
    %dma_wait3A_650 = tpu.memref_slice %arg3[%dma_wait3A_648, %add3A_199, %dma_wait3A_649] : memref<26x64x16384xf32, #tpu.memory_space<hbm>> -> memref<1x1x16384xf32, #tpu.memory_space<hbm>>
    %dma_wait3A_651 = tpu.memref_squeeze %dma_wait3A_650 : memref<1x1x16384xf32, #tpu.memory_space<hbm>> -> memref<16384xf32, #tpu.memory_space<hbm>>
    %dma_wait3A_652 = arith.constant 0 : i32
    %dma_wait3A_653 = tpu.memref_slice %arg3[%dma_wait3A_648, %add3A_199, %dma_wait3A_652] : memref<26x64x16384xf32, #tpu.memory_space<hbm>> -> memref<1x1x16384xf32, #tpu.memory_space<hbm>>
    %dma_wait3A_654 = tpu.memref_squeeze %dma_wait3A_653 : memref<1x1x16384xf32, #tpu.memory_space<hbm>> -> memref<16384xf32, #tpu.memory_space<hbm>>
    tpu.wait_dma2 semaphore(%arg7 : memref<!tpu.dma_semaphore, #tpu.memory_space<semaphore_mem>>) src(%arg6 : memref<16384xf32, #tpu.memory_space<vmem>>) dst(%dma_wait3A_654 : memref<16384xf32, #tpu.memory_space<hbm>>)
    %dma_wait3A_655 = arith.constant 11 : i32
    %dma_wait3A_656 = arith.constant 0 : i32
    %dma_wait3A_657 = tpu.memref_slice %arg3[%dma_wait3A_655, %add3A_199, %dma_wait3A_656] : memref<26x64x16384xf32, #tpu.memory_space<hbm>> -> memref<1x1x16384xf32, #tpu.memory_space<hbm>>
    %dma_wait3A_658 = tpu.memref_squeeze %dma_wait3A_657 : memref<1x1x16384xf32, #tpu.memory_space<hbm>> -> memref<16384xf32, #tpu.memory_space<hbm>>
    %dma_wait3A_659 = arith.constant 0 : i32
    %dma_wait3A_660 = tpu.memref_slice %arg3[%dma_wait3A_655, %add3A_199, %dma_wait3A_659] : memref<26x64x16384xf32, #tpu.memory_space<hbm>> -> memref<1x1x16384xf32, #tpu.memory_space<hbm>>
    %dma_wait3A_661 = tpu.memref_squeeze %dma_wait3A_660 : memref<1x1x16384xf32, #tpu.memory_space<hbm>> -> memref<16384xf32, #tpu.memory_space<hbm>>
    tpu.wait_dma2 semaphore(%arg7 : memref<!tpu.dma_semaphore, #tpu.memory_space<semaphore_mem>>) src(%arg6 : memref<16384xf32, #tpu.memory_space<vmem>>) dst(%dma_wait3A_661 : memref<16384xf32, #tpu.memory_space<hbm>>)
    %dma_wait3A_662 = arith.constant 12 : i32
    %dma_wait3A_663 = arith.constant 0 : i32
    %dma_wait3A_664 = tpu.memref_slice %arg3[%dma_wait3A_662, %add3A_199, %dma_wait3A_663] : memref<26x64x16384xf32, #tpu.memory_space<hbm>> -> memref<1x1x16384xf32, #tpu.memory_space<hbm>>
    %dma_wait3A_665 = tpu.memref_squeeze %dma_wait3A_664 : memref<1x1x16384xf32, #tpu.memory_space<hbm>> -> memref<16384xf32, #tpu.memory_space<hbm>>
    %dma_wait3A_666 = arith.constant 0 : i32
    %dma_wait3A_667 = tpu.memref_slice %arg3[%dma_wait3A_662, %add3A_199, %dma_wait3A_666] : memref<26x64x16384xf32, #tpu.memory_space<hbm>> -> memref<1x1x16384xf32, #tpu.memory_space<hbm>>
    %dma_wait3A_668 = tpu.memref_squeeze %dma_wait3A_667 : memref<1x1x16384xf32, #tpu.memory_space<hbm>> -> memref<16384xf32, #tpu.memory_space<hbm>>
    tpu.wait_dma2 semaphore(%arg7 : memref<!tpu.dma_semaphore, #tpu.memory_space<semaphore_mem>>) src(%arg6 : memref<16384xf32, #tpu.memory_space<vmem>>) dst(%dma_wait3A_668 : memref<16384xf32, #tpu.memory_space<hbm>>)
    %dma_wait3A_669 = arith.constant 13 : i32
    %dma_wait3A_670 = arith.constant 0 : i32
    %dma_wait3A_671 = tpu.memref_slice %arg3[%dma_wait3A_669, %add3A_199, %dma_wait3A_670] : memref<26x64x16384xf32, #tpu.memory_space<hbm>> -> memref<1x1x16384xf32, #tpu.memory_space<hbm>>
    %dma_wait3A_672 = tpu.memref_squeeze %dma_wait3A_671 : memref<1x1x16384xf32, #tpu.memory_space<hbm>> -> memref<16384xf32, #tpu.memory_space<hbm>>
    %dma_wait3A_673 = arith.constant 0 : i32
    %dma_wait3A_674 = tpu.memref_slice %arg3[%dma_wait3A_669, %add3A_199, %dma_wait3A_673] : memref<26x64x16384xf32, #tpu.memory_space<hbm>> -> memref<1x1x16384xf32, #tpu.memory_space<hbm>>
    %dma_wait3A_675 = tpu.memref_squeeze %dma_wait3A_674 : memref<1x1x16384xf32, #tpu.memory_space<hbm>> -> memref<16384xf32, #tpu.memory_space<hbm>>
    tpu.wait_dma2 semaphore(%arg7 : memref<!tpu.dma_semaphore, #tpu.memory_space<semaphore_mem>>) src(%arg6 : memref<16384xf32, #tpu.memory_space<vmem>>) dst(%dma_wait3A_675 : memref<16384xf32, #tpu.memory_space<hbm>>)
    %dma_wait3A_676 = arith.constant 14 : i32
    %dma_wait3A_677 = arith.constant 0 : i32
    %dma_wait3A_678 = tpu.memref_slice %arg3[%dma_wait3A_676, %add3A_199, %dma_wait3A_677] : memref<26x64x16384xf32, #tpu.memory_space<hbm>> -> memref<1x1x16384xf32, #tpu.memory_space<hbm>>
    %dma_wait3A_679 = tpu.memref_squeeze %dma_wait3A_678 : memref<1x1x16384xf32, #tpu.memory_space<hbm>> -> memref<16384xf32, #tpu.memory_space<hbm>>
    %dma_wait3A_680 = arith.constant 0 : i32
    %dma_wait3A_681 = tpu.memref_slice %arg3[%dma_wait3A_676, %add3A_199, %dma_wait3A_680] : memref<26x64x16384xf32, #tpu.memory_space<hbm>> -> memref<1x1x16384xf32, #tpu.memory_space<hbm>>
    %dma_wait3A_682 = tpu.memref_squeeze %dma_wait3A_681 : memref<1x1x16384xf32, #tpu.memory_space<hbm>> -> memref<16384xf32, #tpu.memory_space<hbm>>
    tpu.wait_dma2 semaphore(%arg7 : memref<!tpu.dma_semaphore, #tpu.memory_space<semaphore_mem>>) src(%arg6 : memref<16384xf32, #tpu.memory_space<vmem>>) dst(%dma_wait3A_682 : memref<16384xf32, #tpu.memory_space<hbm>>)
    %dma_wait3A_683 = arith.constant 15 : i32
    %dma_wait3A_684 = arith.constant 0 : i32
    %dma_wait3A_685 = tpu.memref_slice %arg3[%dma_wait3A_683, %add3A_199, %dma_wait3A_684] : memref<26x64x16384xf32, #tpu.memory_space<hbm>> -> memref<1x1x16384xf32, #tpu.memory_space<hbm>>
    %dma_wait3A_686 = tpu.memref_squeeze %dma_wait3A_685 : memref<1x1x16384xf32, #tpu.memory_space<hbm>> -> memref<16384xf32, #tpu.memory_space<hbm>>
    %dma_wait3A_687 = arith.constant 0 : i32
    %dma_wait3A_688 = tpu.memref_slice %arg3[%dma_wait3A_683, %add3A_199, %dma_wait3A_687] : memref<26x64x16384xf32, #tpu.memory_space<hbm>> -> memref<1x1x16384xf32, #tpu.memory_space<hbm>>
    %dma_wait3A_689 = tpu.memref_squeeze %dma_wait3A_688 : memref<1x1x16384xf32, #tpu.memory_space<hbm>> -> memref<16384xf32, #tpu.memory_space<hbm>>
    tpu.wait_dma2 semaphore(%arg7 : memref<!tpu.dma_semaphore, #tpu.memory_space<semaphore_mem>>) src(%arg6 : memref<16384xf32, #tpu.memory_space<vmem>>) dst(%dma_wait3A_689 : memref<16384xf32, #tpu.memory_space<hbm>>)
    %dma_wait3A_690 = arith.constant 16 : i32
    %dma_wait3A_691 = arith.constant 0 : i32
    %dma_wait3A_692 = tpu.memref_slice %arg3[%dma_wait3A_690, %add3A_199, %dma_wait3A_691] : memref<26x64x16384xf32, #tpu.memory_space<hbm>> -> memref<1x1x16384xf32, #tpu.memory_space<hbm>>
    %dma_wait3A_693 = tpu.memref_squeeze %dma_wait3A_692 : memref<1x1x16384xf32, #tpu.memory_space<hbm>> -> memref<16384xf32, #tpu.memory_space<hbm>>
    %dma_wait3A_694 = arith.constant 0 : i32
    %dma_wait3A_695 = tpu.memref_slice %arg3[%dma_wait3A_690, %add3A_199, %dma_wait3A_694] : memref<26x64x16384xf32, #tpu.memory_space<hbm>> -> memref<1x1x16384xf32, #tpu.memory_space<hbm>>
    %dma_wait3A_696 = tpu.memref_squeeze %dma_wait3A_695 : memref<1x1x16384xf32, #tpu.memory_space<hbm>> -> memref<16384xf32, #tpu.memory_space<hbm>>
    tpu.wait_dma2 semaphore(%arg7 : memref<!tpu.dma_semaphore, #tpu.memory_space<semaphore_mem>>) src(%arg6 : memref<16384xf32, #tpu.memory_space<vmem>>) dst(%dma_wait3A_696 : memref<16384xf32, #tpu.memory_space<hbm>>)
    %dma_wait3A_697 = arith.constant 17 : i32
    %dma_wait3A_698 = arith.constant 0 : i32
    %dma_wait3A_699 = tpu.memref_slice %arg3[%dma_wait3A_697, %add3A_199, %dma_wait3A_698] : memref<26x64x16384xf32, #tpu.memory_space<hbm>> -> memref<1x1x16384xf32, #tpu.memory_space<hbm>>
    %dma_wait3A_700 = tpu.memref_squeeze %dma_wait3A_699 : memref<1x1x16384xf32, #tpu.memory_space<hbm>> -> memref<16384xf32, #tpu.memory_space<hbm>>
    %dma_wait3A_701 = arith.constant 0 : i32
    %dma_wait3A_702 = tpu.memref_slice %arg3[%dma_wait3A_697, %add3A_199, %dma_wait3A_701] : memref<26x64x16384xf32, #tpu.memory_space<hbm>> -> memref<1x1x16384xf32, #tpu.memory_space<hbm>>
    %dma_wait3A_703 = tpu.memref_squeeze %dma_wait3A_702 : memref<1x1x16384xf32, #tpu.memory_space<hbm>> -> memref<16384xf32, #tpu.memory_space<hbm>>
    tpu.wait_dma2 semaphore(%arg7 : memref<!tpu.dma_semaphore, #tpu.memory_space<semaphore_mem>>) src(%arg6 : memref<16384xf32, #tpu.memory_space<vmem>>) dst(%dma_wait3A_703 : memref<16384xf32, #tpu.memory_space<hbm>>)
    %dma_wait3A_704 = arith.constant 18 : i32
    %dma_wait3A_705 = arith.constant 0 : i32
    %dma_wait3A_706 = tpu.memref_slice %arg3[%dma_wait3A_704, %add3A_199, %dma_wait3A_705] : memref<26x64x16384xf32, #tpu.memory_space<hbm>> -> memref<1x1x16384xf32, #tpu.memory_space<hbm>>
    %dma_wait3A_707 = tpu.memref_squeeze %dma_wait3A_706 : memref<1x1x16384xf32, #tpu.memory_space<hbm>> -> memref<16384xf32, #tpu.memory_space<hbm>>
    %dma_wait3A_708 = arith.constant 0 : i32
    %dma_wait3A_709 = tpu.memref_slice %arg3[%dma_wait3A_704, %add3A_199, %dma_wait3A_708] : memref<26x64x16384xf32, #tpu.memory_space<hbm>> -> memref<1x1x16384xf32, #tpu.memory_space<hbm>>
    %dma_wait3A_710 = tpu.memref_squeeze %dma_wait3A_709 : memref<1x1x16384xf32, #tpu.memory_space<hbm>> -> memref<16384xf32, #tpu.memory_space<hbm>>
    tpu.wait_dma2 semaphore(%arg7 : memref<!tpu.dma_semaphore, #tpu.memory_space<semaphore_mem>>) src(%arg6 : memref<16384xf32, #tpu.memory_space<vmem>>) dst(%dma_wait3A_710 : memref<16384xf32, #tpu.memory_space<hbm>>)
    %dma_wait3A_711 = arith.constant 19 : i32
    %dma_wait3A_712 = arith.constant 0 : i32
    %dma_wait3A_713 = tpu.memref_slice %arg3[%dma_wait3A_711, %add3A_199, %dma_wait3A_712] : memref<26x64x16384xf32, #tpu.memory_space<hbm>> -> memref<1x1x16384xf32, #tpu.memory_space<hbm>>
    %dma_wait3A_714 = tpu.memref_squeeze %dma_wait3A_713 : memref<1x1x16384xf32, #tpu.memory_space<hbm>> -> memref<16384xf32, #tpu.memory_space<hbm>>
    %dma_wait3A_715 = arith.constant 0 : i32
    %dma_wait3A_716 = tpu.memref_slice %arg3[%dma_wait3A_711, %add3A_199, %dma_wait3A_715] : memref<26x64x16384xf32, #tpu.memory_space<hbm>> -> memref<1x1x16384xf32, #tpu.memory_space<hbm>>
    %dma_wait3A_717 = tpu.memref_squeeze %dma_wait3A_716 : memref<1x1x16384xf32, #tpu.memory_space<hbm>> -> memref<16384xf32, #tpu.memory_space<hbm>>
    tpu.wait_dma2 semaphore(%arg7 : memref<!tpu.dma_semaphore, #tpu.memory_space<semaphore_mem>>) src(%arg6 : memref<16384xf32, #tpu.memory_space<vmem>>) dst(%dma_wait3A_717 : memref<16384xf32, #tpu.memory_space<hbm>>)
    %dma_wait3A_718 = arith.constant 20 : i32
    %dma_wait3A_719 = arith.constant 0 : i32
    %dma_wait3A_720 = tpu.memref_slice %arg3[%dma_wait3A_718, %add3A_199, %dma_wait3A_719] : memref<26x64x16384xf32, #tpu.memory_space<hbm>> -> memref<1x1x16384xf32, #tpu.memory_space<hbm>>
    %dma_wait3A_721 = tpu.memref_squeeze %dma_wait3A_720 : memref<1x1x16384xf32, #tpu.memory_space<hbm>> -> memref<16384xf32, #tpu.memory_space<hbm>>
    %dma_wait3A_722 = arith.constant 0 : i32
    %dma_wait3A_723 = tpu.memref_slice %arg3[%dma_wait3A_718, %add3A_199, %dma_wait3A_722] : memref<26x64x16384xf32, #tpu.memory_space<hbm>> -> memref<1x1x16384xf32, #tpu.memory_space<hbm>>
    %dma_wait3A_724 = tpu.memref_squeeze %dma_wait3A_723 : memref<1x1x16384xf32, #tpu.memory_space<hbm>> -> memref<16384xf32, #tpu.memory_space<hbm>>
    tpu.wait_dma2 semaphore(%arg7 : memref<!tpu.dma_semaphore, #tpu.memory_space<semaphore_mem>>) src(%arg6 : memref<16384xf32, #tpu.memory_space<vmem>>) dst(%dma_wait3A_724 : memref<16384xf32, #tpu.memory_space<hbm>>)
    %dma_wait3A_725 = arith.constant 21 : i32
    %dma_wait3A_726 = arith.constant 0 : i32
    %dma_wait3A_727 = tpu.memref_slice %arg3[%dma_wait3A_725, %add3A_199, %dma_wait3A_726] : memref<26x64x16384xf32, #tpu.memory_space<hbm>> -> memref<1x1x16384xf32, #tpu.memory_space<hbm>>
    %dma_wait3A_728 = tpu.memref_squeeze %dma_wait3A_727 : memref<1x1x16384xf32, #tpu.memory_space<hbm>> -> memref<16384xf32, #tpu.memory_space<hbm>>
    %dma_wait3A_729 = arith.constant 0 : i32
    %dma_wait3A_730 = tpu.memref_slice %arg3[%dma_wait3A_725, %add3A_199, %dma_wait3A_729] : memref<26x64x16384xf32, #tpu.memory_space<hbm>> -> memref<1x1x16384xf32, #tpu.memory_space<hbm>>
    %dma_wait3A_731 = tpu.memref_squeeze %dma_wait3A_730 : memref<1x1x16384xf32, #tpu.memory_space<hbm>> -> memref<16384xf32, #tpu.memory_space<hbm>>
    tpu.wait_dma2 semaphore(%arg7 : memref<!tpu.dma_semaphore, #tpu.memory_space<semaphore_mem>>) src(%arg6 : memref<16384xf32, #tpu.memory_space<vmem>>) dst(%dma_wait3A_731 : memref<16384xf32, #tpu.memory_space<hbm>>)
    %dma_wait3A_732 = arith.constant 22 : i32
    %dma_wait3A_733 = arith.constant 0 : i32
    %dma_wait3A_734 = tpu.memref_slice %arg3[%dma_wait3A_732, %add3A_199, %dma_wait3A_733] : memref<26x64x16384xf32, #tpu.memory_space<hbm>> -> memref<1x1x16384xf32, #tpu.memory_space<hbm>>
    %dma_wait3A_735 = tpu.memref_squeeze %dma_wait3A_734 : memref<1x1x16384xf32, #tpu.memory_space<hbm>> -> memref<16384xf32, #tpu.memory_space<hbm>>
    %dma_wait3A_736 = arith.constant 0 : i32
    %dma_wait3A_737 = tpu.memref_slice %arg3[%dma_wait3A_732, %add3A_199, %dma_wait3A_736] : memref<26x64x16384xf32, #tpu.memory_space<hbm>> -> memref<1x1x16384xf32, #tpu.memory_space<hbm>>
    %dma_wait3A_738 = tpu.memref_squeeze %dma_wait3A_737 : memref<1x1x16384xf32, #tpu.memory_space<hbm>> -> memref<16384xf32, #tpu.memory_space<hbm>>
    tpu.wait_dma2 semaphore(%arg7 : memref<!tpu.dma_semaphore, #tpu.memory_space<semaphore_mem>>) src(%arg6 : memref<16384xf32, #tpu.memory_space<vmem>>) dst(%dma_wait3A_738 : memref<16384xf32, #tpu.memory_space<hbm>>)
    %dma_wait3A_739 = arith.constant 23 : i32
    %dma_wait3A_740 = arith.constant 0 : i32
    %dma_wait3A_741 = tpu.memref_slice %arg3[%dma_wait3A_739, %add3A_199, %dma_wait3A_740] : memref<26x64x16384xf32, #tpu.memory_space<hbm>> -> memref<1x1x16384xf32, #tpu.memory_space<hbm>>
    %dma_wait3A_742 = tpu.memref_squeeze %dma_wait3A_741 : memref<1x1x16384xf32, #tpu.memory_space<hbm>> -> memref<16384xf32, #tpu.memory_space<hbm>>
    %dma_wait3A_743 = arith.constant 0 : i32
    %dma_wait3A_744 = tpu.memref_slice %arg3[%dma_wait3A_739, %add3A_199, %dma_wait3A_743] : memref<26x64x16384xf32, #tpu.memory_space<hbm>> -> memref<1x1x16384xf32, #tpu.memory_space<hbm>>
    %dma_wait3A_745 = tpu.memref_squeeze %dma_wait3A_744 : memref<1x1x16384xf32, #tpu.memory_space<hbm>> -> memref<16384xf32, #tpu.memory_space<hbm>>
    tpu.wait_dma2 semaphore(%arg7 : memref<!tpu.dma_semaphore, #tpu.memory_space<semaphore_mem>>) src(%arg6 : memref<16384xf32, #tpu.memory_space<vmem>>) dst(%dma_wait3A_745 : memref<16384xf32, #tpu.memory_space<hbm>>)
    %dma_wait3A_746 = arith.constant 24 : i32
    %dma_wait3A_747 = arith.constant 0 : i32
    %dma_wait3A_748 = tpu.memref_slice %arg3[%dma_wait3A_746, %add3A_199, %dma_wait3A_747] : memref<26x64x16384xf32, #tpu.memory_space<hbm>> -> memref<1x1x16384xf32, #tpu.memory_space<hbm>>
    %dma_wait3A_749 = tpu.memref_squeeze %dma_wait3A_748 : memref<1x1x16384xf32, #tpu.memory_space<hbm>> -> memref<16384xf32, #tpu.memory_space<hbm>>
    %dma_wait3A_750 = arith.constant 0 : i32
    %dma_wait3A_751 = tpu.memref_slice %arg3[%dma_wait3A_746, %add3A_199, %dma_wait3A_750] : memref<26x64x16384xf32, #tpu.memory_space<hbm>> -> memref<1x1x16384xf32, #tpu.memory_space<hbm>>
    %dma_wait3A_752 = tpu.memref_squeeze %dma_wait3A_751 : memref<1x1x16384xf32, #tpu.memory_space<hbm>> -> memref<16384xf32, #tpu.memory_space<hbm>>
    tpu.wait_dma2 semaphore(%arg7 : memref<!tpu.dma_semaphore, #tpu.memory_space<semaphore_mem>>) src(%arg6 : memref<16384xf32, #tpu.memory_space<vmem>>) dst(%dma_wait3A_752 : memref<16384xf32, #tpu.memory_space<hbm>>)
    %dma_wait3A_753 = arith.constant 25 : i32
    %dma_wait3A_754 = arith.constant 0 : i32
    %dma_wait3A_755 = tpu.memref_slice %arg3[%dma_wait3A_753, %add3A_199, %dma_wait3A_754] : memref<26x64x16384xf32, #tpu.memory_space<hbm>> -> memref<1x1x16384xf32, #tpu.memory_space<hbm>>
    %dma_wait3A_756 = tpu.memref_squeeze %dma_wait3A_755 : memref<1x1x16384xf32, #tpu.memory_space<hbm>> -> memref<16384xf32, #tpu.memory_space<hbm>>
    %dma_wait3A_757 = arith.constant 0 : i32
    %dma_wait3A_758 = tpu.memref_slice %arg3[%dma_wait3A_753, %add3A_199, %dma_wait3A_757] : memref<26x64x16384xf32, #tpu.memory_space<hbm>> -> memref<1x1x16384xf32, #tpu.memory_space<hbm>>
    %dma_wait3A_759 = tpu.memref_squeeze %dma_wait3A_758 : memref<1x1x16384xf32, #tpu.memory_space<hbm>> -> memref<16384xf32, #tpu.memory_space<hbm>>
    tpu.wait_dma2 semaphore(%arg7 : memref<!tpu.dma_semaphore, #tpu.memory_space<semaphore_mem>>) src(%arg6 : memref<16384xf32, #tpu.memory_space<vmem>>) dst(%dma_wait3A_759 : memref<16384xf32, #tpu.memory_space<hbm>>)
    return
  }
}

</mosaic_0001>

<sc_bundles>
// kernel: kernel.3.cloned.1.call-start
scs
__scs_entry_jumppad:
0x0: {  	(pc) =	sbr.rel $0x88, $3  }
0x1: {  	(tag) =	ssettag $0x0;
	lr =	simm.s32 $0x1  }
0x2: {  	[smem:$0x3FA0] =	sst lr;
	_ =	strace $0xD0000000  }
0x3: {  	_ = 	snop  }
0x4: {  	_ = 	snop  }
0x5: {  	_ = 	snop  }
0x6: {  	_ = 	snop  }
0x7: {  	_ = 	snop  }
__scs_overlays_trampoline_lowered:
0x8: {  	[smem:$0x3FAF] =	sst s0  }
0x9: {  	[smem:$0x3FB0] =	sst s1  }
0xa: {  	[smem:$0x3FB1] =	sst s2  }
0xb: {  	[smem:$0x3FB2] =	sst s3  }
0xc: {  	[smem:$0x3FB3] =	sst s4  }
0xd: {  	[smem:$0x3FB4] =	sst s5  }
0xe: {  	[smem:$0x3FB5] =	sst s6  }
0xf: {  	[smem:$0x3FB6] =	sst s7  }
0x10: {  	[smem:$0x3FB7] =	sst s8  }
0x11: {  	[smem:$0x3FB8] =	sst s9;
	s0 =	simm.s32 @!p0 $0x0  }
0x12: {  	s1 =	sld [smem:$0x3F9E];
	s0 =	simm.s32 @p0 $0x1  }
0x13: {  	[smem:$0x3FB9] =	sst s0;
	s0 =	simm.s32 @!p1 $0x0  }
0x14: {  	s2 =	sld [smem:$0x3F9D];
	s0 =	simm.s32 @p1 $0x1  }
0x15: {  	[smem:$0x3FBA] =	sst s0;
	s0 =	simm.s32 @!p2 $0x0  }
0x16: {  	s3 =	sld [smem:$0x3FDB];
	s0 =	simm.s32 @p2 $0x1  }
0x17: {  	s4 =	simm.s32 $0x1BF5;
	[smem:$0x3FBC] =	sst s0  }
0x18: {  	s0 =	sld [smem:$0x3F9F];
	_ =	swait.ge [sflag:s4], $0x0  }
0x19: {  	s7 =	sld [smem:$0x3FA0]  }
0x1a: {  	s8 =	sadd.s32 $0xFFFFE003, lr  }
0x1b: {  	s9 =	sadd.s32 $0xFFFFFEF7, lr;
	s5 =	simm.s32 $0xFFFFFFFF;
	p2 =	slt.u32 s8, $0xFFFFF086  }
0x1c: {  	p1 =	slt.u32 s9, $0xF7A;
	s5 =	simm.s32 @!p2 $0x0  }
0x1d: {  	s5 =	simm.s32 @p1 $0x1;
	p0 =	seq.s32 s7, s2  }
0x1e: {  	s7 =	smul.u32 @!p0 $0xF7A, s2;
	p2 =	seq.s32 @!p0 s5, $0x0  }
0x1f: {  	s9 =	smul.u32 $0xF7A, s1;
	s8 =	simm.s32 @!p0 $0x1BF5;
	p2 =	por !p2, p0  }
0x20: {  	[sflag:s8] =	ssyncset.s32 @!p0 $0xFFFFF086;
	s6 =	sadd.s32 @!p0 s3, s7;
	s7 =	simm.s32 @!p0 $0x108  }
0x21: {  	s3 =	sadd.s32 s3, s9;
	s6 =	sadd.s32 @!p0 $0x88, s6;
	s7 =	simm.s32 @p2 $0x1082  }
0x22: {  	[simem:s7], [sflag:s8] =	dma.local @!p0 [hbm:s6], $0xF7A  }
0x23: {  	s9 =	sor.u32 $0xD0000000, s2;
	s6 =	simm.s32 $0x108;
	_ =	swait.ge @!p0 [sflag:s8], $0x0  }
0x24: {  	s3 =	sadd.s32 $0x88, s3;
	s6 =	simm.s32 @!p1 $0x1082;
	[sflag:s4] =	ssyncset.s32 $0xFFFFF086  }
0x25: {  	[simem:s6], [sflag:s4] =	dma.local [hbm:s3], $0xF7A  }
0x26: {  	[smem:$0x3FA0] =	sst s1;
	(tag) =	ssettag s2;
	_ =	strace s9  }
0x27: {  	s1 =	sld [smem:$0x3FB0]  }
0x28: {  	s2 =	sld [smem:$0x3FB1]  }
0x29: {  	s4 =	sld [smem:$0x3FB3]  }
0x2a: {  	p0 =	seq.s32 s5, $0x0;
	s5 =	sld [smem:$0x3FB4]  }
0x2b: {  	s6 =	sld [smem:$0x3FB5]  }
0x2c: {  	s7 =	sld [smem:$0x3FB6]  }
0x2d: {  	s3 =	simm.s32 $0x108;
	s8 =	sld [smem:$0x3FB7]  }
0x2e: {  	s3 =	simm.s32 @!p0 $0x1082;
	s9 =	sld [smem:$0x3FB8]  }
0x2f: {  	lr =	sadd.s32 s0, s3;
	s0 =	sld [smem:$0x3FAF]  }
0x30: {  	s3 =	sld [smem:$0x3FB2]  }
0x31: {  	[smem:$0x3FBB] =	sst s10  }
0x32: {  	s10 =	sld [smem:$0x3FB9];
	_ =	sdelay $0x3  }
0x33: {  	p0 =	seq.s32 s10, $0x1;
	s10 =	sld [smem:$0x3FBB];
	_ =	sdelay $0x3  }
0x34: {  	[smem:$0x3FBB] =	sst s10  }
0x35: {  	s10 =	sld [smem:$0x3FBA];
	_ =	sdelay $0x3  }
0x36: {  	p1 =	seq.s32 s10, $0x1;
	s10 =	sld [smem:$0x3FBB];
	_ =	sdelay $0x3  }
0x37: {  	[smem:$0x3FBB] =	sst s10  }
0x38: {  	s10 =	sld [smem:$0x3FBC]  }
0x39: {  	_ = 	snop;
	(pc) =	sbr.ind lr, $3  }
0x3a: {  	_ = 	snop  }
0x3b: {  	_ = 	snop  }
0x3c: {  	p2 =	seq.s32 s10, $0x1;
	s10 =	sld [smem:$0x3FBB]  }
0x3d: {  	_ =	shalt  }
0x3e: {  	_ =	shalt  }
0x3f: {  	_ =	shalt  }
0x40: {  	_ =	shalt  }
0x41: {  	_ =	shalt  }
0x42: {  	_ =	shalt  }
0x43: {  	_ =	shalt  }
0x44: {  	_ =	shalt  }
0x45: {  	_ =	shalt  }
0x46: {  	_ =	shalt  }
0x47: {  	_ =	shalt  }
0x48: {  	_ =	shalt  }
0x49: {  	_ =	shalt  }
0x4a: {  	_ =	shalt  }
0x4b: {  	_ =	shalt  }
0x4c: {  	_ =	shalt  }
0x4d: {  	_ =	shalt  }
0x4e: {  	_ =	shalt  }
0x4f: {  	_ =	shalt  }
0x50: {  	_ =	shalt  }
0x51: {  	_ =	shalt  }
0x52: {  	_ =	shalt  }
0x53: {  	_ =	shalt  }
0x54: {  	_ =	shalt  }
0x55: {  	_ =	shalt  }
0x56: {  	_ =	shalt  }
0x57: {  	_ =	shalt  }
0x58: {  	_ =	shalt  }
0x59: {  	_ =	shalt  }
0x5a: {  	_ =	shalt  }
0x5b: {  	_ =	shalt  }
0x5c: {  	_ =	shalt  }
0x5d: {  	_ =	shalt  }
0x5e: {  	_ =	shalt  }
0x5f: {  	_ =	shalt  }
0x60: {  	_ =	shalt  }
0x61: {  	_ =	shalt  }
0x62: {  	_ =	shalt  }
0x63: {  	_ =	shalt  }
0x64: {  	_ =	shalt  }
0x65: {  	_ =	shalt  }
0x66: {  	_ =	shalt  }
0x67: {  	_ =	shalt  }
0x68: {  	_ =	shalt  }
0x69: {  	_ =	shalt  }
0x6a: {  	_ =	shalt  }
0x6b: {  	_ =	shalt  }
0x6c: {  	_ =	shalt  }
0x6d: {  	_ =	shalt  }
0x6e: {  	_ =	shalt  }
0x6f: {  	_ =	shalt  }
0x70: {  	_ =	shalt  }
0x71: {  	_ =	shalt  }
0x72: {  	_ =	shalt  }
0x73: {  	_ =	shalt  }
0x74: {  	_ =	shalt  }
0x75: {  	_ =	shalt  }
0x76: {  	_ =	shalt  }
0x77: {  	_ =	shalt  }
0x78: {  	_ =	shalt  }
0x79: {  	_ =	shalt  }
0x7a: {  	_ =	shalt  }
0x7b: {  	_ =	shalt  }
0x7c: {  	_ =	shalt  }
0x7d: {  	_ =	shalt  }
0x7e: {  	_ =	shalt  }
0x7f: {  	_ =	shalt  }
0x80: {  	_ =	shalt  }
0x81: {  	_ =	shalt  }
0x82: {  	_ =	shalt  }
0x83: {  	_ =	shalt  }
0x84: {  	_ =	shalt  }
0x85: {  	_ =	shalt  }
0x86: {  	_ =	shalt  }
0x87: {  	_ =	shalt  }
.Lfunc_end0:
.L_simem_size_0:
called_computation_lowered:
.L_overlay_start_0:
0x88: {  	s2 =	sld [smem:$0x3FD9]  }
0x89: {  	s3 =	sld [smem:$0x3FFE];
	_ =	sdelay $0x1  }
0x8a: {  	s1 =	srdreg.scid  }
0x8b: {  	s0 =	sand.u32 $0x1, s1  }
0x8c: {  	s17 =	sshll.u32 s0, $0xA;
	s2 =	sadd.s32 s3, s2  }
0x8d: {  	s2 =	sadd.s32 s2, s17  }
0x8e: {  	[smem:$0x3FC7] =	sst s2  }
0x8f: {  	_ = 	snop  }
0x90: {  	s2 =	sld [smem:$0x3FD0];
	(tm) =	ssettm $0x1  }
0x91: {  	s18 =	sld [smem:$0x3FFB];
	_ =	sdelay $0x3  }
0x92: {  	_ =	strace s18  }
0x93: {  	s3 =	sld [smem:$0x3FFC];
	_ =	sdelay $0x3  }
0x94: {  	_ =	strace s3  }
0x95: {  	s3 =	sld [smem:$0x3FFD];
	_ =	sdelay $0x3  }
0x96: {  	_ =	strace s3  }
0x97: {  	_ =	strace $0x8FFFFFFF  }
0x98: {  	s19 =	sld [smem:$0x3FDB];
	_ =	sdelay $0x1  }
0x99: {  	s4 =	simm.s32 $_scs_section_size  }
0x9a: {  	s5 =	simm.s32 $_size__tile_overlayer_lowered;
	s6 =	simm.s32 $_tile_overlayer_lowered  }
0x9b: {  	s22 =	simm.s32 $0x1BFF;
	s21 =	sshll.u32 s6, $0x1;
	s3 =	sadd.s32 s4, s19  }
0x9c: {  	s7 =	simm.s32 $0x0;
	s20 =	sshll.u32 s5, $0x1;
	s5 =	sadd.s32 s21, s3  }
0x9d: {  	[timem:s7], [sflag:s22] =	dma.local [hbm:s5], s20  }
0x9e: {  	_ =	swait.ge [sflag:s22], s20  }
0x9f: {  	s4 =	ssub.s32 $0x0, s20;
	[sflag:s22] =	ssyncset.done $0x0  }
0xa0: {  	[sflag:s22] =	ssyncadd.s32 s4;
	_ =	sdelay $0x1  }
0xa1: {  	s23 =	simm.s32 $0x1B8B  }
0xa2: {  	_ =	swait.ge [sflag:s23], $0x1  }
0xa3: {  	[sflag:s23] =	ssyncset.done $0x0  }
0xa4: {  	s25 =	simm.s32 $0x1B8E;
	s24 =	sld [smem:$0x3FFE];
	[sflag:s23] =	ssyncadd.s32 $0xFFFFFFFF  }
0xa5: {  	s26 =	simm.s32 $execute0_lowered;
	[smem:$0x3FD2] =	sst s25  }
0xa6: {  	s5 =	sshll.u32 s26, $0x1;
	_ =	strace $0x80000046;
	[dreg:$0x1] =	wrdreg $0xFFFFFFFF  }
0xa7: {  	s28 =	simm.s32 $_size_execute0_lowered;
	s3 =	sadd.s32 s3, s5;
	[dreg:$0x0] =	wrdreg $0x0  }
0xa8: {  	s5 =	sshll.u32 s28, $0x1;
	[dreg:$0x2] =	wrdreg s3  }
0xa9: {  	[dreg:$0x3] =	wrdreg s5  }
0xaa: {  	[dreg:$0x4] =	wrdreg $0xC0  }
0xab: {  	_ =	task [dreg:s7], $0x5FFFF  }
0xac: {  	[dreg:$0x1] =	wrdreg $0xFFFFFFFF  }
0xad: {  	[dreg:$0x0] =	wrdreg $0x60  }
0xae: {  	[dreg:$0x2] =	wrdreg s24  }
0xaf: {  	[dreg:$0x3] =	wrdreg s2  }
0xb0: {  	[dreg:$0x4] =	wrdreg $0x9  }
0xb1: {  	_ =	task.clear_ibuf [dreg:s7], $0x5FFFF;
	_ =	strace $0x90000046  }
0xb2: {  	s29 =	simm.s32 $0x9;
	_ =	strace $0x80000048  }
0xb3: {  	_ =	swait.ge [sflag:s29], $0x1  }
0xb4: {  	[sflag:s29] =	ssyncadd.s32 $0xFFFFFFFF  }
0xb5: {  	_ =	strace $0x90000048  }
0xb6: {  	_ =	sfence  }
0xb7: {  	s30 =	sld [smem:$0x0];
	_ =	sdelay $0x2  }
0xb8: {  	s31 =	sshll.u32 s1, $0xD;
	s1 =	sshrl.u32 s1, $0x2  }
0xb9: {  	s3 =	sand.u32 $0x4000, s31;
	s1 =	sadd.s32 s1, s30  }
0xba: {  	s0 =	sor.u32 s3, s0;
	s1 =	sshll.u32 s1, $0x11  }
0xbb: {  	s0 =	sor.u32 s1, s0  }
0xbc: {  	s0 =	sadd.s32 $0x8F2B, s0  }
0xbd: {  	[sflag:s0] =	ssyncadd.remote.s32 $0x1  }
0xbe: {  	_ =	sfence.sel $0xFFFF  }
0xbf: {  	[dreg:$0x0] =	wrdreg $0xFFFFFFFF;
	(pc) =	sbr.abs _section_cstart, $3  }
0xc0: {  	[dreg:$0x1] =	wrdreg $0xFFFFFFFF  }
0xc1: {  	_ =	task.clear_ibuf [dreg:s7], $0x2FFFF;
	_ =	strace $0x9FFFFFFF  }
0xc2: {  	(tm) =	ssettm $0x7FFFFFFF  }
0xc3: {  	_ =	shalt  }
tec
execute0_lowered:
.L_overlay_start_1:
0x0: {  	(tag) =	ssettag $0x1  }
0x1: {  	s0 =	srdreg.scid  }
0x2: {  	s3 =	stileid.u32;
	s0 =	sand.u32 $0x1, s0  }
0x3: {  	s1 =	sshll.u32 s3, $0x2;
	s2 =	sshll.u32 s0, $0x1  }
0x4: {  	s24 =	sshll.u32 s3, $0x10;
	s0 =	ssub.s32 $0x2, s0;
	s1 =	sor.u32 s2, s1  }
0x5: {  	s19 =	sand.u32 $0xE0000, s24;
	s25 =	sshrl.u32 s0, $0x1;
	s26 =	sshll.u32 s1, $0x7  }
0x6: {  	s28 =	sor.u32 $0x200000, s19;
	s0 =	ssub.s32 s0, s25;
	s23 =	sand.u32 $0x300, s26  }
0x7: {  	s25 =	sor.u32 $0x300000, s19;
	[smem:$0x7FD] =	sst s0;
	s3 =	sor.u32 s28, s23  }
0x8: {  	s26 =	sor.u32 $0x400000, s19;
	s4 =	sor.u32 s25, s23;
	[smem:$0x7D8] =	sst s3  }
0x9: {  	s24 =	sor.u32 $0x500000, s19;
	s5 =	sor.u32 s26, s23;
	[smem:$0x7D9] =	sst s4  }
0xa: {  	s22 =	sor.u32 $0x600000, s19;
	s6 =	sor.u32 s24, s23;
	[smem:$0x7DA] =	sst s5  }
0xb: {  	s21 =	sor.u32 $0x700000, s19;
	s7 =	sor.u32 s22, s23;
	[smem:$0x7DB] =	sst s6  }
0xc: {  	s20 =	sor.u32 $0x800000, s19;
	s8 =	sor.u32 s21, s23;
	[smem:$0x7DC] =	sst s7  }
0xd: {  	s17 =	sor.u32 $0x900000, s19;
	s9 =	sor.u32 s20, s23;
	[smem:$0x7DD] =	sst s8  }
0xe: {  	s18 =	sor.u32 $0xA00000, s19;
	s10 =	sor.u32 s17, s23;
	[smem:$0x7DE] =	sst s9  }
0xf: {  	s16 =	sor.u32 $0xB00000, s19;
	s11 =	sor.u32 s18, s23;
	[smem:$0x7DF] =	sst s10  }
0x10: {  	s15 =	sor.u32 $0xC00000, s19;
	s12 =	sor.u32 s16, s23;
	[smem:$0x7E0] =	sst s11  }
0x11: {  	s14 =	sor.u32 $0xD00000, s19;
	s13 =	sor.u32 s15, s23;
	[smem:$0x7E1] =	sst s12  }
0x12: {  	s2 =	sor.u32 s14, s23;
	[smem:$0x7E2] =	sst s13;
	s13 =	sor.u32 $0xE00000, s19  }
0x13: {  	[smem:$0x7E3] =	sst s2;
	s11 =	sor.u32 $0xF00000, s19;
	s3 =	sor.u32 s13, s23  }
0x14: {  	s12 =	sor.u32 $0x1000000, s19;
	s4 =	sor.u32 s11, s23;
	[smem:$0x7E4] =	sst s3  }
0x15: {  	s10 =	sor.u32 $0x1100000, s19;
	s5 =	sor.u32 s12, s23;
	[smem:$0x7E5] =	sst s4  }
0x16: {  	s9 =	sor.u32 $0x1200000, s19;
	s6 =	sor.u32 s10, s23;
	[smem:$0x7E6] =	sst s5  }
0x17: {  	s8 =	sor.u32 $0x1300000, s19;
	s7 =	sor.u32 s9, s23;
	[smem:$0x7E7] =	sst s6  }
0x18: {  	s2 =	sor.u32 s8, s23;
	[smem:$0x7E8] =	sst s7;
	s5 =	sor.u32 $0x1500000, s19  }
0x19: {  	[smem:$0x7E9] =	sst s2;
	s7 =	sor.u32 $0x1400000, s19;
	s4 =	sor.u32 s5, s23  }
0x1a: {  	s3 =	sor.u32 s7, s23;
	[smem:$0x7EB] =	sst s4;
	s4 =	sor.u32 $0x1700000, s19  }
0x1b: {  	s6 =	sor.u32 $0x1600000, s19;
	[smem:$0x7EA] =	sst s3;
	s3 =	sor.u32 s4, s23  }
0x1c: {  	s2 =	sor.u32 s6, s23;
	[smem:$0x7ED] =	sst s3;
	s3 =	sor.u32 $0x1800000, s19  }
0x1d: {  	[smem:$0x7EC] =	sst s2;
	s2 =	sor.u32 $0x1900000, s19;
	s0 =	sor.u32 s3, s23  }
0x1e: {  	s29 =	sor.u32 $0x100000, s19;
	[smem:$0x7EE] =	sst s0;
	s0 =	sor.u32 s2, s23  }
0x1f: {  	s31 =	sor.u32 s19, s23;
	[smem:$0x7EF] =	sst s0;
	s0 =	sor.u32 $0x80, s23  }
0x20: {  	s30 =	sor.u32 s29, s23;
	s23 =	sor.u32 s19, s0;
	s19 =	sor.u32 s29, s0  }
0x21: {  	s29 =	sor.u32 s14, s0;
	s14 =	sor.u32 s11, s0;
	s11 =	sld [smem:$0x7DA]  }
0x22: {  	s25 =	sor.u32 s25, s0;
	[smem:$0x7F0] =	sst s19  }
0x23: {  	s26 =	sor.u32 s26, s0;
	[smem:$0x7F1] =	sst s25  }
0x24: {  	s22 =	sor.u32 s22, s0;
	[smem:$0x7F2] =	sst s26  }
0x25: {  	s21 =	sor.u32 s21, s0;
	[smem:$0x7F6] =	sst s22  }
0x26: {  	s20 =	sor.u32 s20, s0;
	s17 =	sor.u32 s17, s0;
	[smem:$0x7F7] =	sst s21  }
0x27: {  	s16 =	sor.u32 s16, s0;
	s13 =	sor.u32 s13, s0;
	[smem:$0x7F8] =	sst s20  }
0x28: {  	s19 =	sor.u32 s28, s0;
	s25 =	sor.u32 s24, s0;
	[smem:$0x7FA] =	sst s17  }
0x29: {  	s26 =	sor.u32 s18, s0;
	[smem:$0x7FC] =	sst s16;
	s28 =	sor.u32 s15, s0  }
0x2a: {  	s15 =	sor.u32 s12, s0;
	s16 =	sor.u32 s10, s0;
	s17 =	sor.u32 s9, s0  }
0x2b: {  	s18 =	sor.u32 s8, s0;
	s24 =	sor.u32 s2, s0;
	s2 =	rddreg [dreg:$0x1]  }
0x2c: {  	s20 =	sor.u32 s5, s0;
	s21 =	sor.u32 s6, s0;
	s9 =	sld [smem:$0x7D8]  }
0x2d: {  	s5 =	sor.u32 s3, s0;
	s3 =	sshrl.u32 s31, $0x3;
	s10 =	sld [smem:$0x7D9]  }
0x2e: {  	s6 =	sshrl.u32 s30, $0x3;
	[smem:$0x7FB] =	sst s26;
	s26 =	sor.u32 s7, s0  }
0x2f: {  	s7 =	simm.s32 $0x0;
	s8 =	sadd.s32 s2, s6;
	s6 =	sld [smem:$0x7DC]  }
0x30: {  	s22 =	sor.u32 s4, s0;
	s0 =	sadd.s32 s2, s3;
	[smem:$0x7FF] =	sst s7  }
0x31: {  	[dreg:$0x3] =	wrdreg s0  }
0x32: {  	[dreg:$0x4] =	wrdreg s8  }
0x33: {  	s7 =	sld [smem:$0x7DD]  }
0x34: {  	s4 =	sshrl.u32 s11, $0x3;
	s11 =	sld [smem:$0x7DF];
	s0 =	sshrl.u32 s9, $0x3  }
0x35: {  	s3 =	sshrl.u32 s10, $0x3;
	s10 =	sld [smem:$0x7DE];
	s0 =	sadd.s32 s2, s0  }
0x36: {  	s12 =	sadd.s32 s2, s3;
	s3 =	sadd.s32 s2, s4;
	s4 =	sld [smem:$0x7DB]  }
0x37: {  	[dreg:$0x5] =	wrdreg s0  }
0x38: {  	[dreg:$0x6] =	wrdreg s12  }
0x39: {  	[dreg:$0x7] =	wrdreg s3;
	s3 =	sshrl.u32 s6, $0x3  }
0x3a: {  	s12 =	sld [smem:$0x7E0];
	s8 =	sadd.s32 s2, s3  }
0x3b: {  	s3 =	sshrl.u32 s11, $0x3;
	[dreg:$0x9] =	wrdreg s8  }
0x3c: {  	s6 =	sadd.s32 s2, s3;
	s8 =	sld [smem:$0x7E1]  }
0x3d: {  	s0 =	sshrl.u32 s4, $0x3;
	[dreg:$0xc] =	wrdreg s6  }
0x3e: {  	s4 =	sshrl.u32 s7, $0x3;
	s0 =	sadd.s32 s2, s0;
	s6 =	sld [smem:$0x7E6]  }
0x3f: {  	s9 =	sadd.s32 s2, s4;
	[dreg:$0x8] =	wrdreg s0  }
0x40: {  	[dreg:$0xa] =	wrdreg s9  }
0x41: {  	s4 =	sshrl.u32 s12, $0x3;
	s9 =	sld [smem:$0x7E2]  }
0x42: {  	s0 =	sshrl.u32 s10, $0x3;
	s7 =	sadd.s32 s2, s4;
	s10 =	sld [smem:$0x7E3]  }
0x43: {  	s0 =	sadd.s32 s2, s0;
	[dreg:$0xd] =	wrdreg s7  }
0x44: {  	[dreg:$0xb] =	wrdreg s0  }
0x45: {  	s0 =	sshrl.u32 s8, $0x3;
	s3 =	sshrl.u32 s9, $0x3;
	s9 =	sld [smem:$0x7E7]  }
0x46: {  	s4 =	sshrl.u32 s10, $0x3;
	s0 =	sadd.s32 s2, s0;
	s10 =	sld [smem:$0x7E8]  }
0x47: {  	[dreg:$0xe] =	wrdreg s0  }
0x48: {  	s11 =	sadd.s32 s2, s3;
	s3 =	sld [smem:$0x7E4]  }
0x49: {  	s12 =	sadd.s32 s2, s4;
	s4 =	sld [smem:$0x7E5]  }
0x4a: {  	[dreg:$0xf] =	wrdreg s11  }
0x4b: {  	[dreg:$0x10] =	wrdreg s12  }
0x4c: {  	s11 =	sld [smem:$0x7E9];
	s0 =	sshrl.u32 s3, $0x3;
	s3 =	sshrl.u32 s4, $0x3  }
0x4d: {  	s4 =	sshrl.u32 s6, $0x3;
	s6 =	sld [smem:$0x7EB];
	s0 =	sadd.s32 s2, s0  }
0x4e: {  	s7 =	sadd.s32 s2, s3;
	s3 =	sshrl.u32 s10, $0x3;
	s10 =	sld [smem:$0x7ED]  }
0x4f: {  	s8 =	sadd.s32 s2, s4;
	s4 =	sshrl.u32 s11, $0x3;
	s11 =	sld [smem:$0x7EE]  }
0x50: {  	[dreg:$0x11] =	wrdreg s0  }
0x51: {  	[dreg:$0x12] =	wrdreg s7  }
0x52: {  	s13 =	sshrl.u32 s13, $0x3;
	s14 =	sshrl.u32 s14, $0x3;
	[dreg:$0x13] =	wrdreg s8  }
0x53: {  	s12 =	sadd.s32 s2, s3;
	s3 =	sadd.s32 s2, s4;
	s4 =	sld [smem:$0x7EA]  }
0x54: {  	s30 =	simm.s32 $0x80;
	s31 =	simm.s32 $0x4080;
	s7 =	sld [smem:$0x7EC]  }
0x55: {  	s13 =	sadd.s32 s2, s13;
	s15 =	sshrl.u32 s15, $0x3;
	[dreg:$0x15] =	wrdreg s12  }
0x56: {  	s16 =	sshrl.u32 s16, $0x3;
	s0 =	sshrl.u32 s9, $0x3;
	[dreg:$0x16] =	wrdreg s3  }
0x57: {  	s0 =	sadd.s32 s2, s0;
	s3 =	sshrl.u32 s6, $0x3;
	s12 =	sld [smem:$0x7EF]  }
0x58: {  	s14 =	sadd.s32 s2, s14;
	[dreg:$0x14] =	wrdreg s0;
	s8 =	sadd.s32 s2, s3  }
0x59: {  	s17 =	sshrl.u32 s17, $0x3;
	s3 =	sshrl.u32 s11, $0x3;
	[dreg:$0x18] =	wrdreg s8  }
0x5a: {  	s0 =	sshrl.u32 s4, $0x3;
	s3 =	sadd.s32 s2, s3;
	s8 =	sld [smem:$0x7F0]  }
0x5b: {  	s4 =	sshrl.u32 s7, $0x3;
	s0 =	sadd.s32 s2, s0;
	[dreg:$0x1b] =	wrdreg s3  }
0x5c: {  	s9 =	sadd.s32 s2, s4;
	s4 =	sshrl.u32 s12, $0x3;
	s12 =	sld [smem:$0x7F1]  }
0x5d: {  	s18 =	sshrl.u32 s18, $0x3;
	s20 =	sshrl.u32 s20, $0x3;
	[dreg:$0x17] =	wrdreg s0  }
0x5e: {  	s21 =	sshrl.u32 s21, $0x3;
	s22 =	sshrl.u32 s22, $0x3;
	[dreg:$0x19] =	wrdreg s9  }
0x5f: {  	s24 =	sshrl.u32 s24, $0x3;
	s9 =	sshrl.u32 s19, $0x3;
	s19 =	sld [smem:$0x7F2]  }
0x60: {  	s15 =	sadd.s32 s2, s15;
	s6 =	sadd.s32 s2, s4;
	s4 =	sld [smem:$0x7F6]  }
0x61: {  	s16 =	sadd.s32 s2, s16;
	s17 =	sadd.s32 s2, s17;
	[dreg:$0x1c] =	wrdreg s6  }
0x62: {  	s18 =	sadd.s32 s2, s18;
	s20 =	sadd.s32 s2, s20;
	s6 =	sld [smem:$0x7F7]  }
0x63: {  	s0 =	sshrl.u32 s10, $0x3;
	s3 =	sshrl.u32 s8, $0x3;
	s8 =	sld [smem:$0x7FA]  }
0x64: {  	s0 =	sadd.s32 s2, s0;
	s11 =	sadd.s32 s2, s9;
	s9 =	sld [smem:$0x7FB]  }
0x65: {  	s21 =	sadd.s32 s2, s21;
	s22 =	sadd.s32 s2, s22;
	[dreg:$0x1a] =	wrdreg s0  }
0x66: {  	s24 =	sadd.s32 s2, s24;
	s7 =	sshrl.u32 s23, $0x3;
	[dreg:$0x1f] =	wrdreg s11  }
0x67: {  	s23 =	sshrl.u32 s25, $0x3;
	s0 =	sadd.s32 s2, s7;
	s7 =	sld [smem:$0x7F8]  }
0x68: {  	s10 =	sadd.s32 s2, s3;
	s11 =	sshrl.u32 s28, $0x3;
	[dreg:$0x1d] =	wrdreg s0  }
0x69: {  	s28 =	simm.s32 $0x2;
	[dreg:$0x1e] =	wrdreg s10;
	s0 =	sshrl.u32 s12, $0x3  }
0x6a: {  	s3 =	sshrl.u32 s19, $0x3;
	s10 =	sld [smem:$0x7FC];
	s12 =	sshrl.u32 s29, $0x3  }
0x6b: {  	s11 =	sadd.s32 s2, s11;
	s19 =	sshrl.u32 s26, $0x3;
	s0 =	sadd.s32 s2, s0  }
0x6c: {  	s29 =	simm.s32 $0x400;
	s25 =	sadd.s32 s2, s3;
	[smem:$0x7F3] =	sst s0  }
0x6d: {  	s3 =	sadd.s32 s2, s23;
	s12 =	sadd.s32 s2, s12;
	[smem:$0x7F4] =	sst s25  }
0x6e: {  	s19 =	sadd.s32 s2, s19;
	[smem:$0x7F5] =	sst s3;
	s0 =	sshrl.u32 s4, $0x3  }
0x6f: {  	s23 =	sshrl.u32 s5, $0x3;
	s25 =	rddreg [dreg:$0x0];
	s0 =	sadd.s32 s2, s0  }
0x70: {  	s3 =	sshrl.u32 s6, $0x3;
	s4 =	sshrl.u32 s7, $0x3;
	[smem:$0x7F9] =	sst s0  }
0x71: {  	s23 =	sadd.s32 s2, s23;
	s6 =	sadd.s32 s2, s3;
	_ =	strace $0x80000047  }
0x72: {  	s7 =	sadd.s32 s2, s4;
	s3 =	sshrl.u32 s9, $0x3;
	s26 =	sld [smem:$0x7FD]  }
0x73: {  	s4 =	sshrl.u32 s10, $0x3;
	s25 =	sadd.s32 $0x400, s25;
	s0 =	sshrl.u32 s8, $0x3  }
0x74: {  	s9 =	sadd.s32 s2, s3;
	s10 =	sadd.s32 s2, s4;
	s8 =	sadd.s32 s2, s0  }
0x75: {  	s0 =	simm.s32 $0x1;
	s2 =	simm.s32 $0x0;
	s26 =	smax.u32 s26, $0x1  }
.LBB2_1:
0x76: {  	s3 =	simm.s32 $0x0  }
0x77: {  	[tilespmem:s3], [sflag:$0x2] =	stream.linear.gather [hbm4b:s25+s3], $0x40, $0x38;
	[tilespmem:$0x8080] =	vst v63  }
0x78: {  	_ =	swait.ge [sflag:s28], $0x40  }
0x79: {  	[sflag:s28] =	ssyncset.done $0x0  }
0x7a: {  	[sflag:s28] =	ssyncadd.s32 $0xFFFFFFC0  }
0x7b: {  	v0 =	vld [tilespmem:s1+$0x0];
	_ =	sdelay $0x4  }
0x7c: {  	v0 =	vadd.f32 $0.0e+00, v0;
	_ =	sdelay $0x1  }
0x7d: {  	v0 =	vbroadcast v0, $0x0  }
0x7e: {  	s4 =	simm.s32 $0x100;
	s3 =	simm.s32 $0x0  }
.LBB2_2:
0x7f: {  	p0 =	sne.s32 s4, $0xFF00;
	[tilespmem:s3+$0xB0] =	vst v0;
	s5 =	smov.u32 s4;
	s4 =	sadd.s32 $0x100, s4  }
.Ltmp0:
0x80: {  	[tilespmem:s3+$0xA0] =	vst v0;
	(pc) =	sbr.rel @p0 .LBB2_2-.Ltmp0, $3  }
0x81: {  	[tilespmem:s3+$0x80] =	vst v0  }
0x82: {  	[tilespmem:s3+$0x90] =	vst v0;
	_ =	sdelay $0x1  }
0x83: {  	s3 =	sshra.s32 s5, $0x2  }
0x84: {  	[tilespmem:s3+$0xB0] =	vst v0  }
0x85: {  	[tilespmem:s3+$0xA0] =	vst v0  }
0x86: {  	[tilespmem:s3+$0x80] =	vst v0  }
0x87: {  	[tilespmem:s3+$0x90] =	vst v0;
	s4 =	rddreg [dreg:$0x3]  }
0x88: {  	[hbm4b:s4+s30] =	stream.strided.scatter [tilespmem:s30], [sflag:$0x1], $0x4000, s29, s30, $0x38;
	[tilespmem:$0x8080] =	vst v63  }
0x89: {  	s5 =	rddreg [dreg:$0x4]  }
0x8a: {  	[hbm4b:s5+s30] =	stream.strided.scatter [tilespmem:s30], [sflag:$0x1], $0x4000, s29, s30, $0x38;
	[tilespmem:$0x8080] =	vst v63  }
0x8b: {  	s4 =	rddreg [dreg:$0x5]  }
0x8c: {  	[hbm4b:s4+s30] =	stream.strided.scatter [tilespmem:s30], [sflag:$0x1], $0x4000, s29, s30, $0x38;
	[tilespmem:$0x8080] =	vst v63  }
0x8d: {  	s5 =	rddreg [dreg:$0x6]  }
0x8e: {  	[hbm4b:s5+s30] =	stream.strided.scatter [tilespmem:s30], [sflag:$0x1], $0x4000, s29, s30, $0x38;
	[tilespmem:$0x8080] =	vst v63  }
0x8f: {  	s4 =	rddreg [dreg:$0x7]  }
0x90: {  	[hbm4b:s4+s30] =	stream.strided.scatter [tilespmem:s30], [sflag:$0x1], $0x4000, s29, s30, $0x38;
	[tilespmem:$0x8080] =	vst v63  }
0x91: {  	s5 =	rddreg [dreg:$0x8]  }
0x92: {  	[hbm4b:s5+s30] =	stream.strided.scatter [tilespmem:s30], [sflag:$0x1], $0x4000, s29, s30, $0x38;
	[tilespmem:$0x8080] =	vst v63  }
0x93: {  	s4 =	rddreg [dreg:$0x9]  }
0x94: {  	[hbm4b:s4+s30] =	stream.strided.scatter [tilespmem:s30], [sflag:$0x1], $0x4000, s29, s30, $0x38;
	[tilespmem:$0x8080] =	vst v63  }
0x95: {  	s5 =	rddreg [dreg:$0xa]  }
0x96: {  	[hbm4b:s5+s30] =	stream.strided.scatter [tilespmem:s30], [sflag:$0x1], $0x4000, s29, s30, $0x38;
	[tilespmem:$0x8080] =	vst v63  }
0x97: {  	s4 =	rddreg [dreg:$0xb]  }
0x98: {  	[hbm4b:s4+s30] =	stream.strided.scatter [tilespmem:s30], [sflag:$0x1], $0x4000, s29, s30, $0x38;
	[tilespmem:$0x8080] =	vst v63  }
0x99: {  	s5 =	rddreg [dreg:$0xc]  }
0x9a: {  	[hbm4b:s5+s30] =	stream.strided.scatter [tilespmem:s30], [sflag:$0x1], $0x4000, s29, s30, $0x38;
	[tilespmem:$0x8080] =	vst v63  }
0x9b: {  	s4 =	rddreg [dreg:$0xd]  }
0x9c: {  	[hbm4b:s4+s30] =	stream.strided.scatter [tilespmem:s30], [sflag:$0x1], $0x4000, s29, s30, $0x38;
	[tilespmem:$0x8080] =	vst v63  }
0x9d: {  	s5 =	rddreg [dreg:$0xe]  }
0x9e: {  	[hbm4b:s5+s30] =	stream.strided.scatter [tilespmem:s30], [sflag:$0x1], $0x4000, s29, s30, $0x38;
	[tilespmem:$0x8080] =	vst v63  }
0x9f: {  	s4 =	rddreg [dreg:$0xf]  }
0xa0: {  	[hbm4b:s4+s30] =	stream.strided.scatter [tilespmem:s30], [sflag:$0x1], $0x4000, s29, s30, $0x38;
	[tilespmem:$0x8080] =	vst v63  }
0xa1: {  	s5 =	rddreg [dreg:$0x10]  }
0xa2: {  	[hbm4b:s5+s30] =	stream.strided.scatter [tilespmem:s30], [sflag:$0x1], $0x4000, s29, s30, $0x38;
	[tilespmem:$0x8080] =	vst v63  }
0xa3: {  	s4 =	rddreg [dreg:$0x11]  }
0xa4: {  	[hbm4b:s4+s30] =	stream.strided.scatter [tilespmem:s30], [sflag:$0x1], $0x4000, s29, s30, $0x38;
	[tilespmem:$0x8080] =	vst v63  }
0xa5: {  	s5 =	rddreg [dreg:$0x12]  }
0xa6: {  	[hbm4b:s5+s30] =	stream.strided.scatter [tilespmem:s30], [sflag:$0x1], $0x4000, s29, s30, $0x38;
	[tilespmem:$0x8080] =	vst v63  }
0xa7: {  	s4 =	rddreg [dreg:$0x13]  }
0xa8: {  	[hbm4b:s4+s30] =	stream.strided.scatter [tilespmem:s30], [sflag:$0x1], $0x4000, s29, s30, $0x38;
	[tilespmem:$0x8080] =	vst v63  }
0xa9: {  	s5 =	rddreg [dreg:$0x14]  }
0xaa: {  	[hbm4b:s5+s30] =	stream.strided.scatter [tilespmem:s30], [sflag:$0x1], $0x4000, s29, s30, $0x38;
	[tilespmem:$0x8080] =	vst v63  }
0xab: {  	s4 =	rddreg [dreg:$0x15]  }
0xac: {  	[hbm4b:s4+s30] =	stream.strided.scatter [tilespmem:s30], [sflag:$0x1], $0x4000, s29, s30, $0x38;
	[tilespmem:$0x8080] =	vst v63  }
0xad: {  	s5 =	rddreg [dreg:$0x16]  }
0xae: {  	[hbm4b:s5+s30] =	stream.strided.scatter [tilespmem:s30], [sflag:$0x1], $0x4000, s29, s30, $0x38;
	[tilespmem:$0x8080] =	vst v63  }
0xaf: {  	s4 =	rddreg [dreg:$0x17]  }
0xb0: {  	[hbm4b:s4+s30] =	stream.strided.scatter [tilespmem:s30], [sflag:$0x1], $0x4000, s29, s30, $0x38;
	[tilespmem:$0x8080] =	vst v63  }
0xb1: {  	s5 =	rddreg [dreg:$0x18]  }
0xb2: {  	[hbm4b:s5+s30] =	stream.strided.scatter [tilespmem:s30], [sflag:$0x1], $0x4000, s29, s30, $0x38;
	[tilespmem:$0x8080] =	vst v63  }
0xb3: {  	s4 =	rddreg [dreg:$0x19]  }
0xb4: {  	[hbm4b:s4+s30] =	stream.strided.scatter [tilespmem:s30], [sflag:$0x1], $0x4000, s29, s30, $0x38;
	[tilespmem:$0x8080] =	vst v63  }
0xb5: {  	s5 =	rddreg [dreg:$0x1a]  }
0xb6: {  	[hbm4b:s5+s30] =	stream.strided.scatter [tilespmem:s30], [sflag:$0x1], $0x4000, s29, s30, $0x38;
	[tilespmem:$0x8080] =	vst v63  }
0xb7: {  	s4 =	rddreg [dreg:$0x1b]  }
0xb8: {  	[hbm4b:s4+s30] =	stream.strided.scatter [tilespmem:s30], [sflag:$0x1], $0x4000, s29, s30, $0x38;
	[tilespmem:$0x8080] =	vst v63  }
0xb9: {  	s5 =	rddreg [dreg:$0x1c]  }
0xba: {  	[hbm4b:s5+s30] =	stream.strided.scatter [tilespmem:s30], [sflag:$0x1], $0x4000, s29, s30, $0x38;
	[tilespmem:$0x8080] =	vst v63  }
0xbb: {  	v0 =	vld [tilespmem:s1+$0x1];
	_ =	sdelay $0x4  }
0xbc: {  	v0 =	vadd.f32 $0.0e+00, v0;
	_ =	sdelay $0x1  }
0xbd: {  	v0 =	vbroadcast v0, $0x0  }
0xbe: {  	s3 =	simm.s32 $0x0;
	s4 =	simm.s32 $0x100  }
.LBB2_4:
0xbf: {  	p0 =	sne.s32 s4, $0xFF00;
	[tilespmem:s3+$0x40B0] =	vst v0;
	s5 =	smov.u32 s4;
	s4 =	sadd.s32 $0x100, s4  }
.Ltmp1:
0xc0: {  	[tilespmem:s3+$0x40A0] =	vst v0;
	(pc) =	sbr.rel @p0 .LBB2_4-.Ltmp1, $3  }
0xc1: {  	[tilespmem:s3+$0x4080] =	vst v0  }
0xc2: {  	[tilespmem:s3+$0x4090] =	vst v0;
	_ =	sdelay $0x1  }
0xc3: {  	s3 =	sshra.s32 s5, $0x2  }
0xc4: {  	[tilespmem:s3+$0x40B0] =	vst v0  }
0xc5: {  	[tilespmem:s3+$0x40A0] =	vst v0  }
0xc6: {  	[tilespmem:s3+$0x4080] =	vst v0;
	s5 =	rddreg [dreg:$0x1d]  }
0xc7: {  	[tilespmem:s3+$0x4090] =	vst v0;
	s4 =	rddreg [dreg:$0x1e]  }
0xc8: {  	[hbm4b:s5+s30] =	stream.strided.scatter [tilespmem:s31], [sflag:$0x1], $0x4000, s29, s30, $0x38;
	[tilespmem:$0x8080] =	vst v63  }
0xc9: {  	s5 =	rddreg [dreg:$0x1f]  }
0xca: {  	[hbm4b:s4+s30] =	stream.strided.scatter [tilespmem:s31], [sflag:$0x1], $0x4000, s29, s30, $0x38;
	[tilespmem:$0x8080] =	vst v63  }
0xcb: {  	s4 =	sld [smem:$0x7F3]  }
0xcc: {  	[hbm4b:s5+s30] =	stream.strided.scatter [tilespmem:s31], [sflag:$0x1], $0x4000, s29, s30, $0x38;
	[tilespmem:$0x8080] =	vst v63  }
0xcd: {  	s5 =	sld [smem:$0x7F4]  }
0xce: {  	[hbm4b:s4+s30] =	stream.strided.scatter [tilespmem:s31], [sflag:$0x1], $0x4000, s29, s30, $0x38;
	[tilespmem:$0x8080] =	vst v63  }
0xcf: {  	s4 =	sld [smem:$0x7F5]  }
0xd0: {  	[hbm4b:s5+s30] =	stream.strided.scatter [tilespmem:s31], [sflag:$0x1], $0x4000, s29, s30, $0x38;
	[tilespmem:$0x8080] =	vst v63  }
0xd1: {  	s5 =	sld [smem:$0x7F9]  }
0xd2: {  	[hbm4b:s4+s30] =	stream.strided.scatter [tilespmem:s31], [sflag:$0x1], $0x4000, s29, s30, $0x38;
	[tilespmem:$0x8080] =	vst v63  }
0xd3: {  	_ = 	snop  }
0xd4: {  	[hbm4b:s5+s30] =	stream.strided.scatter [tilespmem:s31], [sflag:$0x1], $0x4000, s29, s30, $0x38;
	[tilespmem:$0x8080] =	vst v63  }
0xd5: {  	_ = 	snop  }
0xd6: {  	[hbm4b:s6+s30] =	stream.strided.scatter [tilespmem:s31], [sflag:$0x1], $0x4000, s29, s30, $0x38;
	[tilespmem:$0x8080] =	vst v63  }
0xd7: {  	_ = 	snop  }
0xd8: {  	[hbm4b:s7+s30] =	stream.strided.scatter [tilespmem:s31], [sflag:$0x1], $0x4000, s29, s30, $0x38;
	[tilespmem:$0x8080] =	vst v63  }
0xd9: {  	_ = 	snop  }
0xda: {  	[hbm4b:s8+s30] =	stream.strided.scatter [tilespmem:s31], [sflag:$0x1], $0x4000, s29, s30, $0x38;
	[tilespmem:$0x8080] =	vst v63  }
0xdb: {  	_ = 	snop  }
0xdc: {  	[hbm4b:s9+s30] =	stream.strided.scatter [tilespmem:s31], [sflag:$0x1], $0x4000, s29, s30, $0x38;
	[tilespmem:$0x8080] =	vst v63  }
0xdd: {  	_ = 	snop  }
0xde: {  	[hbm4b:s10+s30] =	stream.strided.scatter [tilespmem:s31], [sflag:$0x1], $0x4000, s29, s30, $0x38;
	[tilespmem:$0x8080] =	vst v63  }
0xdf: {  	_ = 	snop  }
0xe0: {  	[hbm4b:s11+s30] =	stream.strided.scatter [tilespmem:s31], [sflag:$0x1], $0x4000, s29, s30, $0x38;
	[tilespmem:$0x8080] =	vst v63  }
0xe1: {  	_ = 	snop  }
0xe2: {  	[hbm4b:s12+s30] =	stream.strided.scatter [tilespmem:s31], [sflag:$0x1], $0x4000, s29, s30, $0x38;
	[tilespmem:$0x8080] =	vst v63  }
0xe3: {  	_ = 	snop  }
0xe4: {  	[hbm4b:s13+s30] =	stream.strided.scatter [tilespmem:s31], [sflag:$0x1], $0x4000, s29, s30, $0x38;
	[tilespmem:$0x8080] =	vst v63  }
0xe5: {  	_ = 	snop  }
0xe6: {  	[hbm4b:s14+s30] =	stream.strided.scatter [tilespmem:s31], [sflag:$0x1], $0x4000, s29, s30, $0x38;
	[tilespmem:$0x8080] =	vst v63  }
0xe7: {  	_ = 	snop  }
0xe8: {  	[hbm4b:s15+s30] =	stream.strided.scatter [tilespmem:s31], [sflag:$0x1], $0x4000, s29, s30, $0x38;
	[tilespmem:$0x8080] =	vst v63  }
0xe9: {  	_ = 	snop  }
0xea: {  	[hbm4b:s16+s30] =	stream.strided.scatter [tilespmem:s31], [sflag:$0x1], $0x4000, s29, s30, $0x38;
	[tilespmem:$0x8080] =	vst v63  }
0xeb: {  	_ = 	snop  }
0xec: {  	[hbm4b:s17+s30] =	stream.strided.scatter [tilespmem:s31], [sflag:$0x1], $0x4000, s29, s30, $0x38;
	[tilespmem:$0x8080] =	vst v63  }
0xed: {  	_ = 	snop  }
0xee: {  	[hbm4b:s18+s30] =	stream.strided.scatter [tilespmem:s31], [sflag:$0x1], $0x4000, s29, s30, $0x38;
	[tilespmem:$0x8080] =	vst v63  }
0xef: {  	_ = 	snop  }
0xf0: {  	[hbm4b:s19+s30] =	stream.strided.scatter [tilespmem:s31], [sflag:$0x1], $0x4000, s29, s30, $0x38;
	[tilespmem:$0x8080] =	vst v63  }
0xf1: {  	_ = 	snop  }
0xf2: {  	[hbm4b:s20+s30] =	stream.strided.scatter [tilespmem:s31], [sflag:$0x1], $0x4000, s29, s30, $0x38;
	[tilespmem:$0x8080] =	vst v63  }
0xf3: {  	_ = 	snop  }
0xf4: {  	[hbm4b:s21+s30] =	stream.strided.scatter [tilespmem:s31], [sflag:$0x1], $0x4000, s29, s30, $0x38;
	[tilespmem:$0x8080] =	vst v63  }
0xf5: {  	_ = 	snop  }
0xf6: {  	[hbm4b:s22+s30] =	stream.strided.scatter [tilespmem:s31], [sflag:$0x1], $0x4000, s29, s30, $0x38;
	[tilespmem:$0x8080] =	vst v63  }
0xf7: {  	_ = 	snop  }
0xf8: {  	[hbm4b:s23+s30] =	stream.strided.scatter [tilespmem:s31], [sflag:$0x1], $0x4000, s29, s30, $0x38;
	[tilespmem:$0x8080] =	vst v63  }
0xf9: {  	_ = 	snop  }
0xfa: {  	[hbm4b:s24+s30] =	stream.strided.scatter [tilespmem:s31], [sflag:$0x1], $0x4000, s29, s30, $0x38;
	[tilespmem:$0x8080] =	vst v63  }
0xfb: {  	_ =	swait.ge [sflag:s0], $0x4000  }
0xfc: {  	[sflag:s0] =	ssyncset.done $0x0  }
0xfd: {  	[sflag:s0] =	ssyncadd.s32 $0xFFFFC000  }
0xfe: {  	_ =	swait.ge [sflag:s0], $0x4000  }
0xff: {  	[sflag:s0] =	ssyncset.done $0x0  }
0x100: {  	[sflag:s0] =	ssyncadd.s32 $0xFFFFC000  }
0x101: {  	_ =	swait.ge [sflag:s0], $0x4000  }
0x102: {  	[sflag:s0] =	ssyncset.done $0x0  }
0x103: {  	[sflag:s0] =	ssyncadd.s32 $0xFFFFC000  }
0x104: {  	_ =	swait.ge [sflag:s0], $0x4000  }
0x105: {  	[sflag:s0] =	ssyncset.done $0x0  }
0x106: {  	[sflag:s0] =	ssyncadd.s32 $0xFFFFC000  }
0x107: {  	_ =	swait.ge [sflag:s0], $0x4000  }
0x108: {  	[sflag:s0] =	ssyncset.done $0x0  }
0x109: {  	[sflag:s0] =	ssyncadd.s32 $0xFFFFC000  }
0x10a: {  	_ =	swait.ge [sflag:s0], $0x4000  }
0x10b: {  	[sflag:s0] =	ssyncset.done $0x0  }
0x10c: {  	[sflag:s0] =	ssyncadd.s32 $0xFFFFC000  }
0x10d: {  	_ =	swait.ge [sflag:s0], $0x4000  }
0x10e: {  	[sflag:s0] =	ssyncset.done $0x0  }
0x10f: {  	[sflag:s0] =	ssyncadd.s32 $0xFFFFC000  }
0x110: {  	_ =	swait.ge [sflag:s0], $0x4000  }
0x111: {  	[sflag:s0] =	ssyncset.done $0x0  }
0x112: {  	[sflag:s0] =	ssyncadd.s32 $0xFFFFC000  }
0x113: {  	_ =	swait.ge [sflag:s0], $0x4000  }
0x114: {  	[sflag:s0] =	ssyncset.done $0x0  }
0x115: {  	[sflag:s0] =	ssyncadd.s32 $0xFFFFC000  }
0x116: {  	_ =	swait.ge [sflag:s0], $0x4000  }
0x117: {  	[sflag:s0] =	ssyncset.done $0x0  }
0x118: {  	[sflag:s0] =	ssyncadd.s32 $0xFFFFC000  }
0x119: {  	_ =	swait.ge [sflag:s0], $0x4000  }
0x11a: {  	[sflag:s0] =	ssyncset.done $0x0  }
0x11b: {  	[sflag:s0] =	ssyncadd.s32 $0xFFFFC000  }
0x11c: {  	_ =	swait.ge [sflag:s0], $0x4000  }
0x11d: {  	[sflag:s0] =	ssyncset.done $0x0  }
0x11e: {  	[sflag:s0] =	ssyncadd.s32 $0xFFFFC000  }
0x11f: {  	_ =	swait.ge [sflag:s0], $0x4000  }
0x120: {  	[sflag:s0] =	ssyncset.done $0x0  }
0x121: {  	[sflag:s0] =	ssyncadd.s32 $0xFFFFC000  }
0x122: {  	_ =	swait.ge [sflag:s0], $0x4000  }
0x123: {  	[sflag:s0] =	ssyncset.done $0x0  }
0x124: {  	[sflag:s0] =	ssyncadd.s32 $0xFFFFC000  }
0x125: {  	_ =	swait.ge [sflag:s0], $0x4000  }
0x126: {  	[sflag:s0] =	ssyncset.done $0x0  }
0x127: {  	[sflag:s0] =	ssyncadd.s32 $0xFFFFC000  }
0x128: {  	_ =	swait.ge [sflag:s0], $0x4000  }
0x129: {  	[sflag:s0] =	ssyncset.done $0x0  }
0x12a: {  	[sflag:s0] =	ssyncadd.s32 $0xFFFFC000  }
0x12b: {  	_ =	swait.ge [sflag:s0], $0x4000  }
0x12c: {  	[sflag:s0] =	ssyncset.done $0x0  }
0x12d: {  	[sflag:s0] =	ssyncadd.s32 $0xFFFFC000  }
0x12e: {  	_ =	swait.ge [sflag:s0], $0x4000  }
0x12f: {  	[sflag:s0] =	ssyncset.done $0x0  }
0x130: {  	[sflag:s0] =	ssyncadd.s32 $0xFFFFC000  }
0x131: {  	_ =	swait.ge [sflag:s0], $0x4000  }
0x132: {  	[sflag:s0] =	ssyncset.done $0x0  }
0x133: {  	[sflag:s0] =	ssyncadd.s32 $0xFFFFC000  }
0x134: {  	_ =	swait.ge [sflag:s0], $0x4000  }
0x135: {  	[sflag:s0] =	ssyncset.done $0x0  }
0x136: {  	[sflag:s0] =	ssyncadd.s32 $0xFFFFC000  }
0x137: {  	_ =	swait.ge [sflag:s0], $0x4000  }
0x138: {  	[sflag:s0] =	ssyncset.done $0x0  }
0x139: {  	[sflag:s0] =	ssyncadd.s32 $0xFFFFC000  }
0x13a: {  	_ =	swait.ge [sflag:s0], $0x4000  }
0x13b: {  	[sflag:s0] =	ssyncset.done $0x0  }
0x13c: {  	[sflag:s0] =	ssyncadd.s32 $0xFFFFC000  }
0x13d: {  	_ =	swait.ge [sflag:s0], $0x4000  }
0x13e: {  	[sflag:s0] =	ssyncset.done $0x0  }
0x13f: {  	[sflag:s0] =	ssyncadd.s32 $0xFFFFC000  }
0x140: {  	_ =	swait.ge [sflag:s0], $0x4000  }
0x141: {  	[sflag:s0] =	ssyncset.done $0x0  }
0x142: {  	[sflag:s0] =	ssyncadd.s32 $0xFFFFC000  }
0x143: {  	_ =	swait.ge [sflag:s0], $0x4000  }
0x144: {  	[sflag:s0] =	ssyncset.done $0x0  }
0x145: {  	[sflag:s0] =	ssyncadd.s32 $0xFFFFC000  }
0x146: {  	_ =	swait.ge [sflag:s0], $0x4000  }
0x147: {  	[sflag:s0] =	ssyncset.done $0x0  }
0x148: {  	[sflag:s0] =	ssyncadd.s32 $0xFFFFC000  }
0x149: {  	_ =	swait.ge [sflag:s0], $0x4000  }
0x14a: {  	[sflag:s0] =	ssyncset.done $0x0  }
0x14b: {  	[sflag:s0] =	ssyncadd.s32 $0xFFFFC000  }
0x14c: {  	_ =	swait.ge [sflag:s0], $0x4000  }
0x14d: {  	[sflag:s0] =	ssyncset.done $0x0  }
0x14e: {  	[sflag:s0] =	ssyncadd.s32 $0xFFFFC000  }
0x14f: {  	_ =	swait.ge [sflag:s0], $0x4000  }
0x150: {  	[sflag:s0] =	ssyncset.done $0x0  }
0x151: {  	[sflag:s0] =	ssyncadd.s32 $0xFFFFC000  }
0x152: {  	_ =	swait.ge [sflag:s0], $0x4000  }
0x153: {  	[sflag:s0] =	ssyncset.done $0x0  }
0x154: {  	[sflag:s0] =	ssyncadd.s32 $0xFFFFC000  }
0x155: {  	_ =	swait.ge [sflag:s0], $0x4000  }
0x156: {  	[sflag:s0] =	ssyncset.done $0x0  }
0x157: {  	[sflag:s0] =	ssyncadd.s32 $0xFFFFC000  }
0x158: {  	_ =	swait.ge [sflag:s0], $0x4000  }
0x159: {  	[sflag:s0] =	ssyncset.done $0x0  }
0x15a: {  	[sflag:s0] =	ssyncadd.s32 $0xFFFFC000  }
0x15b: {  	_ =	swait.ge [sflag:s0], $0x4000  }
0x15c: {  	[sflag:s0] =	ssyncset.done $0x0  }
0x15d: {  	[sflag:s0] =	ssyncadd.s32 $0xFFFFC000  }
0x15e: {  	_ =	swait.ge [sflag:s0], $0x4000  }
0x15f: {  	[sflag:s0] =	ssyncset.done $0x0  }
0x160: {  	[sflag:s0] =	ssyncadd.s32 $0xFFFFC000  }
0x161: {  	_ =	swait.ge [sflag:s0], $0x4000  }
0x162: {  	[sflag:s0] =	ssyncset.done $0x0  }
0x163: {  	[sflag:s0] =	ssyncadd.s32 $0xFFFFC000  }
0x164: {  	_ =	swait.ge [sflag:s0], $0x4000  }
0x165: {  	[sflag:s0] =	ssyncset.done $0x0  }
0x166: {  	[sflag:s0] =	ssyncadd.s32 $0xFFFFC000  }
0x167: {  	_ =	swait.ge [sflag:s0], $0x4000  }
0x168: {  	[sflag:s0] =	ssyncset.done $0x0  }
0x169: {  	[sflag:s0] =	ssyncadd.s32 $0xFFFFC000  }
0x16a: {  	_ =	swait.ge [sflag:s0], $0x4000  }
0x16b: {  	[sflag:s0] =	ssyncset.done $0x0  }
0x16c: {  	[sflag:s0] =	ssyncadd.s32 $0xFFFFC000  }
0x16d: {  	_ =	swait.ge [sflag:s0], $0x4000  }
0x16e: {  	[sflag:s0] =	ssyncset.done $0x0  }
0x16f: {  	[sflag:s0] =	ssyncadd.s32 $0xFFFFC000  }
0x170: {  	_ =	swait.ge [sflag:s0], $0x4000  }
0x171: {  	[sflag:s0] =	ssyncset.done $0x0  }
0x172: {  	[sflag:s0] =	ssyncadd.s32 $0xFFFFC000  }
0x173: {  	_ =	swait.ge [sflag:s0], $0x4000  }
0x174: {  	[sflag:s0] =	ssyncset.done $0x0  }
0x175: {  	[sflag:s0] =	ssyncadd.s32 $0xFFFFC000  }
0x176: {  	_ =	swait.ge [sflag:s0], $0x4000  }
0x177: {  	[sflag:s0] =	ssyncset.done $0x0  }
0x178: {  	[sflag:s0] =	ssyncadd.s32 $0xFFFFC000  }
0x179: {  	_ =	swait.ge [sflag:s0], $0x4000  }
0x17a: {  	[sflag:s0] =	ssyncset.done $0x0  }
0x17b: {  	[sflag:s0] =	ssyncadd.s32 $0xFFFFC000  }
0x17c: {  	_ =	swait.ge [sflag:s0], $0x4000  }
0x17d: {  	[sflag:s0] =	ssyncset.done $0x0  }
0x17e: {  	[sflag:s0] =	ssyncadd.s32 $0xFFFFC000  }
0x17f: {  	_ =	swait.ge [sflag:s0], $0x4000  }
0x180: {  	[sflag:s0] =	ssyncset.done $0x0  }
0x181: {  	[sflag:s0] =	ssyncadd.s32 $0xFFFFC000  }
0x182: {  	_ =	swait.ge [sflag:s0], $0x4000  }
0x183: {  	[sflag:s0] =	ssyncset.done $0x0  }
0x184: {  	[sflag:s0] =	ssyncadd.s32 $0xFFFFC000  }
0x185: {  	_ =	swait.ge [sflag:s0], $0x4000  }
0x186: {  	[sflag:s0] =	ssyncset.done $0x0  }
0x187: {  	[sflag:s0] =	ssyncadd.s32 $0xFFFFC000  }
0x188: {  	_ =	swait.ge [sflag:s0], $0x4000  }
0x189: {  	[sflag:s0] =	ssyncset.done $0x0  }
0x18a: {  	[sflag:s0] =	ssyncadd.s32 $0xFFFFC000  }
0x18b: {  	_ =	swait.ge [sflag:s0], $0x4000  }
0x18c: {  	[sflag:s0] =	ssyncset.done $0x0  }
0x18d: {  	[sflag:s0] =	ssyncadd.s32 $0xFFFFC000  }
0x18e: {  	_ =	swait.ge [sflag:s0], $0x4000  }
0x18f: {  	[sflag:s0] =	ssyncset.done $0x0  }
0x190: {  	s2 =	sadd.s32 $0x1, s2;
	[sflag:s0] =	ssyncadd.s32 $0xFFFFC000  }
0x191: {  	p0 =	sne.s32 s2, s26;
	_ =	swait.ge [sflag:s0], $0x4000  }
.Ltmp2:
0x192: {  	[sflag:s0] =	ssyncset.done $0x0;
	(pc) =	sbr.rel @p0 .LBB2_1-.Ltmp2, $4  }
0x193: {  	[sflag:s0] =	ssyncadd.s32 $0xFFFFC000  }
0x194: {  	_ =	swait.ge [sflag:s0], $0x4000  }
0x195: {  	[sflag:s0] =	ssyncset.done $0x0  }
0x196: {  	[sflag:s0] =	ssyncadd.s32 $0xFFFFC000  }
0x197: {  	_ =	sfence.sel $0x180000  }
0x198: {  	[bflag:$0x0] =	sbarrier.arrive $0xFFFF  }
0x199: {  	_ =	strace $0x90000047  }
0x19a: {  	s0 =	stileid.u32;
	[bflag:$0x2] =	sbarrier.arrive $0xFFFF  }
0x19b: {  	p0 =	sne.s32 s0, $0x0;
	s0 =	rddreg [dreg:$0x2]  }
0x19c: {  	s0 =	sadd.s32 @!p0 $0x100000, s0  }
0x19d: {  	[sflag:s0] =	ssyncadd.tile.s32 @!p0 $0x1;
	_ =	shalt  }
.Lfunc_end2:
_tile_overlayer_lowered:
.L_overlay_start_2:
0x19e: {  	(tag) =	ssettag $0x2  }
0x19f: {  	s0 =	rddreg [dreg:$0x0];
	s2 =	stileid.u32  }
0x1a0: {  	s1 =	rddreg [dreg:$0x1];
	p0 =	sne.s32 s2, $0x0  }
0x1a1: {  	s3 =	rddreg [dreg:$0x2];
	[bflag:$0x3] =	sbarrier.arrive $0xFFFF;
	s2 =	simm.s32 @!p0 $0x1C02  }
0x1a2: {  	[timem:s3], [sflag:s2] =	dma.local @!p0 [hbm:s0], s1  }
0x1a3: {  	s0 =	simm.s32 @!p0 $0x2  }
0x1a4: {  	_ =	swait.ge @!p0 [sflag:s0], s1  }
0x1a5: {  	s1 =	ssub.s32 @!p0 $0x0, s1;
	[sflag:s0] =	ssyncset.done @!p0 $0x0  }
0x1a6: {  	[sflag:s0] =	ssyncadd.s32 @!p0 s1  }
0x1a7: {  	[bflag:$0x3] =	sbarrier.arrive $0xFFFF  }
0x1a8: {  	_ =	shalt  }

</sc_bundles>
